<compile_context>
chip_gen: v7x
topology: tpu7x:2x2x1
jax: 0.10.2.dev20260603
libtpu: 0.0.44.dev20260713+nightly
codegen_flags: <defaults>
</compile_context>

<pallas_src>
import functools

import jax
import jax.numpy as jnp
from jax import lax
from jax.experimental import pallas as pl
from jax.experimental.pallas import tpu as pltpu
from jax.experimental.pallas import tpu_sc as plsc

M_NUM = 6000
D_NUM = 4000
VOCAB = M_NUM + D_NUM
FEA = 128
N_LISTS = 2
BATCH = 4096
NEI = 32

_BM = 400
_NBM_M = M_NUM // _BM
_NBM_D = D_NUM // _BM

_NC = 2
_NS = 16
_NW = _NC * _NS
_B_TOT = N_LISTS * BATCH * NEI
_BPW = _B_TOT // _NW
_CH = 128


def _proj_body(m_ref, d_ref, wm_ref, wd_ref, b_ref, o_ref):
    i = pl.program_id(0)

    @pl.when(i < _NBM_M)
    def _():
        x = m_ref[...].astype(jnp.bfloat16)
        o_ref[...] = jnp.maximum(
            jnp.dot(x, wm_ref[...], preferred_element_type=jnp.float32)
            + b_ref[...],
            0.0,
        )

    @pl.when(i >= _NBM_M)
    def _():
        x = d_ref[...].astype(jnp.bfloat16)
        o_ref[...] = jnp.maximum(
            jnp.dot(x, wd_ref[...], preferred_element_type=jnp.float32)
            + b_ref[...],
            0.0,
        )


def _project_all(m_sim, d_sim, W, b):
    wm = W[:M_NUM].astype(jnp.bfloat16)
    wd = W[M_NUM:].astype(jnp.bfloat16)
    return pl.pallas_call(
        _proj_body,
        grid=(_NBM_M + _NBM_D,),
        in_specs=[
            pl.BlockSpec((_BM, M_NUM), lambda i: (jnp.minimum(i, _NBM_M - 1), 0)),
            pl.BlockSpec((_BM, D_NUM), lambda i: (jnp.clip(i - _NBM_M, 0, _NBM_D - 1), 0)),
            pl.BlockSpec((M_NUM, FEA), lambda i: (0, 0)),
            pl.BlockSpec((D_NUM, FEA), lambda i: (0, 0)),
            pl.BlockSpec((1, FEA), lambda i: (0, 0)),
        ],
        out_specs=pl.BlockSpec((_BM, FEA), lambda i: (i, 0)),
        out_shape=jax.ShapeDtypeStruct((VOCAB, FEA), jnp.float32),
    )(m_sim, d_sim, wm, wd, b.reshape(1, FEA))


_CPW = 32
_ROWS3 = _B_TOT // _CH


def _gather_body(table_hbm, idx_hbm, out_hbm, idx_v, rows_v, gsems, ssems):
    wid = lax.axis_index("s") * _NC + lax.axis_index("c")
    base3 = wid * (_BPW // _CH)
    pltpu.sync_copy(idx_hbm.at[wid], idx_v)

    def _gather_start(j, p):
        pltpu.async_copy(table_hbm.at[idx_v.at[j, 0]], rows_v.at[p, 0], gsems.at[p])
        pltpu.async_copy(table_hbm.at[idx_v.at[j, 1]], rows_v.at[p, 1], gsems.at[p])

    def _gather_wait(j, p):
        pltpu.make_async_copy(
            table_hbm.at[idx_v.at[j, 0]], rows_v.at[p, 0], gsems.at[p]
        ).wait()
        pltpu.make_async_copy(
            table_hbm.at[idx_v.at[j, 1]], rows_v.at[p, 1], gsems.at[p]
        ).wait()

    def _store_start(j, p):
        pltpu.async_copy(
            rows_v.at[p], out_hbm.at[pl.ds(base3 + 2 * j, 2)], ssems.at[p]
        )

    def _store_wait(j, p):
        pltpu.make_async_copy(
            rows_v.at[p], out_hbm.at[pl.ds(base3 + 2 * j, 2)], ssems.at[p]
        ).wait()

    _gather_start(0, 0)

    def body(t, carry):
        for p in range(3):
            j = 3 * t + p
            pn = (p + 1) % 3

            @pl.when(j >= 2)
            def _():
                _store_wait(j - 2, pn)

            _gather_start(j + 1, pn)
            _gather_wait(j, p)
            _store_start(j, p)
        return carry

    lax.fori_loop(0, (_CPW - 2) // 3, body, 0)
    _store_wait(28, 1)
    _gather_start(31, 1)
    _gather_wait(30, 0)
    _store_start(30, 0)
    _store_wait(29, 2)
    _gather_wait(31, 1)
    _store_start(31, 1)
    _store_wait(30, 0)
    _store_wait(31, 1)


_gather = functools.partial(
    pl.kernel,
    out_type=jax.ShapeDtypeStruct((_ROWS3, _CH, FEA), jnp.float32),
    mesh=plsc.VectorSubcoreMesh(core_axis_name="c", subcore_axis_name="s"),
    scratch_types=[
        pltpu.VMEM((_CPW, 2, _CH), jnp.int32),
        pltpu.VMEM((3, 2, _CH, FEA), jnp.float32),
        pltpu.SemaphoreType.DMA((3,)),
        pltpu.SemaphoreType.DMA((3,)),
    ],
)(_gather_body)


def kernel(m_sim, d_sim, nei_node_list, W, b):
    table = _project_all(m_sim, d_sim, W, b)
    idx = nei_node_list.reshape(_NW, _CPW, 2, _CH)
    out = _gather(table, idx)
    return out.reshape(N_LISTS, BATCH, NEI, FEA)

# --- scband reference (transcript-rebuilt; emitter-appended) ---
"""Pipeline reference for scband-node-embedding-9122510537211 (READ-ONLY COPY).

The authoritative reference and input builder live on the scoring server;
editing this copy changes nothing except your own understanding.
"""

import jax, jax.numpy as jnp
import numpy as np

M_NUM = 6000
D_NUM = 4000
VOCAB = M_NUM + D_NUM
FEA = 128
N_LISTS = 2
BATCH = 4096
NEI = 32


def setup_inputs(seed: int = 0) -> dict:
    key = jax.random.key(seed)
    k1, k2, k3, k4 = jax.random.split(key, 4)
    m_sim = jax.random.normal(k1, (M_NUM, M_NUM), dtype=jnp.float32)
    d_sim = jax.random.normal(k2, (D_NUM, D_NUM), dtype=jnp.float32)
    nei_node_list = jax.random.randint(k3, (N_LISTS, BATCH, NEI), 0, VOCAB, dtype=jnp.int32)
    # linear params: in_features = node_voca_num (10000), out_features = FEA (128)
    W = jax.random.normal(k4, (VOCAB, FEA), dtype=jnp.float32) * (1.0 / np.sqrt(VOCAB))
    b = jnp.zeros((FEA,), dtype=jnp.float32)
    return {"m_sim": m_sim, "d_sim": d_sim, "nei_node_list": nei_node_list, "W": W, "b": b}


def reference(m_sim, d_sim, nei_node_list, W, b):
    # build the joint feature matrix [VOCAB, VOCAB]
    md_f = jnp.zeros((M_NUM, D_NUM), dtype=jnp.float32)
    prep_m_f = jnp.concatenate([m_sim, md_f], axis=1)          # [M, V]
    prep_d_f = jnp.concatenate([md_f.T, d_sim], axis=1)         # [D, V]
    m_d_f = jnp.concatenate([prep_m_f, prep_d_f], axis=0)       # [V, V]
    # linear -> relu (dropout is identity in eval mode)
    md_node_fea = jax.nn.relu(m_d_f @ W + b)                    # [V, FEA]
    # per-list embedding gather
    batch_size = nei_node_list.shape[1]
    flat_idx = nei_node_list.reshape(N_LISTS, -1)               # [L, B*NEI]
    emb = jnp.take(md_node_fea, flat_idx, axis=0)               # [L, B*NEI, FEA]
    emb = emb.reshape(N_LISTS, batch_size, -1, FEA)             # list stacked -> [L, B, NEI, FEA]
    return emb

if __name__ == "__main__":
    import jax
    _d = setup_inputs()
    print(jax.jit(kernel)(*tuple(_d.values())))

</pallas_src>

<mosaic_0001>
#map = affine_map<(d0, d1) -> (0, 0)>
#map1 = affine_map<(d0, d1) -> (0, 0, 0, 0)>
#map2 = affine_map<(d0, d1) -> (0, 0, 0)>
module attributes {stable_mosaic.version = 14 : i64} {
  func.func @_gather_body(%arg0: i32, %arg1: i32, %arg2: memref<10000x128xf32, #tpu.memory_space<hbm>>, %arg3: memref<32x32x2x128xi32, #tpu.memory_space<hbm>>, %arg4: memref<2048x128x128xf32, #tpu.memory_space<hbm>>, %arg5: memref<32x2x128xi32, #tpu.memory_space<vmem>>, %arg6: memref<3x2x128x128xf32, #tpu.memory_space<vmem>>, %arg7: memref<3x!tpu.dma_semaphore, #tpu.memory_space<semaphore_mem>>, %arg8: memref<3x!tpu.dma_semaphore, #tpu.memory_space<semaphore_mem>>) attributes {dimension_semantics = [#tpu.dimension_semantics<core_parallel>, #tpu.dimension_semantics<subcore_parallel>], iteration_bounds = array<i64: 2, 16>, scalar_prefetch = 0 : i64, scratch_operands = 4 : i64, tpu.core_type = #tpu.core_type<sc_vector_subcore>, window_params = [{transform_indices = #map}, {transform_indices = #map1}, {transform_indices = #map2}]} {
    %mul3A = arith.constant 2 : i32
    %mul3A_0 = arith.muli %arg1, %mul3A : i32
    %add3A = arith.addi %mul3A_0, %arg0 : i32
    %mul3A_1 = arith.constant 64 : i32
    %mul3A_2 = arith.muli %add3A, %mul3A_1 : i32
    "tpu.region"() ({
      %run_scoped3A = tpu.sem_alloc : memref<!tpu.dma_semaphore, #tpu.memory_space<semaphore_mem>>
      %dma_start3A_274 = arith.constant 0 : i32
      %dma_start3A_275 = arith.constant 0 : i32
      %dma_start3A_276 = arith.constant 0 : i32
      %dma_start3A_277 = tpu.memref_slice %arg3[%add3A, %dma_start3A_274, %dma_start3A_275, %dma_start3A_276] : memref<32x32x2x128xi32, #tpu.memory_space<hbm>> -> memref<1x32x2x128xi32, #tpu.memory_space<hbm>>
      %dma_start3A_278 = tpu.memref_squeeze %dma_start3A_277 : memref<1x32x2x128xi32, #tpu.memory_space<hbm>> -> memref<32x2x128xi32, #tpu.memory_space<hbm>>
      %dma_start3A_279 = arith.constant 0 : i32
      %dma_start3A_280 = arith.constant 0 : i32
      %dma_start3A_281 = arith.constant 0 : i32
      %dma_start3A_282 = tpu.memref_slice %arg3[%add3A, %dma_start3A_279, %dma_start3A_280, %dma_start3A_281] : memref<32x32x2x128xi32, #tpu.memory_space<hbm>> -> memref<1x32x2x128xi32, #tpu.memory_space<hbm>>
      %dma_start3A_283 = tpu.memref_squeeze %dma_start3A_282 : memref<1x32x2x128xi32, #tpu.memory_space<hbm>> -> memref<32x2x128xi32, #tpu.memory_space<hbm>>
      tpu.enqueue_dma source(%dma_start3A_283 : memref<32x2x128xi32, #tpu.memory_space<hbm>>) target(%arg5 : memref<32x2x128xi32, #tpu.memory_space<vmem>>) target_semaphore(%run_scoped3A : memref<!tpu.dma_semaphore, #tpu.memory_space<semaphore_mem>>)
      %dma_wait3A_284 = arith.constant 0 : i32
      %dma_wait3A_285 = arith.constant 0 : i32
      %dma_wait3A_286 = arith.constant 0 : i32
      %dma_wait3A_287 = tpu.memref_slice %arg3[%add3A, %dma_wait3A_284, %dma_wait3A_285, %dma_wait3A_286] : memref<32x32x2x128xi32, #tpu.memory_space<hbm>> -> memref<1x32x2x128xi32, #tpu.memory_space<hbm>>
      %dma_wait3A_288 = tpu.memref_squeeze %dma_wait3A_287 : memref<1x32x2x128xi32, #tpu.memory_space<hbm>> -> memref<32x2x128xi32, #tpu.memory_space<hbm>>
      %dma_wait3A_289 = arith.constant 0 : i32
      %dma_wait3A_290 = arith.constant 0 : i32
      %dma_wait3A_291 = arith.constant 0 : i32
      %dma_wait3A_292 = tpu.memref_slice %arg3[%add3A, %dma_wait3A_289, %dma_wait3A_290, %dma_wait3A_291] : memref<32x32x2x128xi32, #tpu.memory_space<hbm>> -> memref<1x32x2x128xi32, #tpu.memory_space<hbm>>
      %dma_wait3A_293 = tpu.memref_squeeze %dma_wait3A_292 : memref<1x32x2x128xi32, #tpu.memory_space<hbm>> -> memref<32x2x128xi32, #tpu.memory_space<hbm>>
      tpu.wait_dma2 semaphore(%run_scoped3A : memref<!tpu.dma_semaphore, #tpu.memory_space<semaphore_mem>>) src(%dma_wait3A_293 : memref<32x2x128xi32, #tpu.memory_space<hbm>>) dst(%arg5 : memref<32x2x128xi32, #tpu.memory_space<vmem>>)
      tpu.yield
    }) : () -> ()
    %dma_start3A = arith.constant 0 : i32
    %dma_start3A_3 = arith.constant 0 : i32
    %dma_start3A_4 = arith.constant 0 : i32
    %dma_start3A_5 = arith.constant 0 : i32
    %dma_start3A_6 = arith.constant 0 : i32
    %dma_start3A_7 = arith.constant 0 : i32
    %dma_start3A_8 = arith.constant 0 : i32
    %dma_start3A_9 = tpu.memref_slice %arg6[%dma_start3A_4, %dma_start3A_5, %dma_start3A_7, %dma_start3A_8] : memref<3x2x128x128xf32, #tpu.memory_space<vmem>> -> memref<1x1x128x128xf32, #tpu.memory_space<vmem>>
    %dma_start3A_10 = tpu.memref_squeeze %dma_start3A_9 : memref<1x1x128x128xf32, #tpu.memory_space<vmem>> -> memref<128x128xf32, #tpu.memory_space<vmem>>
    %dma_start3A_11 = arith.constant 0 : i32
    %dma_start3A_12 = tpu.memref_slice %arg5[%dma_start3A, %dma_start3A_3, %dma_start3A_11] : memref<32x2x128xi32, #tpu.memory_space<vmem>> -> memref<1x1x128xi32, #tpu.memory_space<vmem>>
    %dma_start3A_13 = tpu.memref_squeeze %dma_start3A_12 : memref<1x1x128xi32, #tpu.memory_space<vmem>> -> memref<128xi32, #tpu.memory_space<vmem>>
    %dma_start3A_14 = arith.constant 0 : i32
    %dma_start3A_15 = arith.constant 0 : i32
    %dma_start3A_16 = tpu.memref_slice %arg2[%dma_start3A_14, %dma_start3A_15] : memref<10000x128xf32, #tpu.memory_space<hbm>> -> memref<10000x128xf32, #tpu.memory_space<hbm>>
    %dma_start3A_17 = tpu.memref_slice %arg7[%dma_start3A_6] : memref<3x!tpu.dma_semaphore, #tpu.memory_space<semaphore_mem>> -> memref<1x!tpu.dma_semaphore, #tpu.memory_space<semaphore_mem>>
    %dma_start3A_18 = tpu.memref_squeeze %dma_start3A_17 : memref<1x!tpu.dma_semaphore, #tpu.memory_space<semaphore_mem>> -> memref<!tpu.dma_semaphore, #tpu.memory_space<semaphore_mem>>
    tpu.enqueue_indirect_dma source(%dma_start3A_16 : memref<10000x128xf32, #tpu.memory_space<hbm>>) target(%dma_start3A_10 : memref<128x128xf32, #tpu.memory_space<vmem>>) offsets(%dma_start3A_13 : memref<128xi32, #tpu.memory_space<vmem>>) semaphore(%dma_start3A_18 : memref<!tpu.dma_semaphore, #tpu.memory_space<semaphore_mem>>)
    %dma_start3A_19 = arith.constant 0 : i32
    %dma_start3A_20 = arith.constant 1 : i32
    %dma_start3A_21 = arith.constant 0 : i32
    %dma_start3A_22 = arith.constant 1 : i32
    %dma_start3A_23 = arith.constant 0 : i32
    %dma_start3A_24 = arith.constant 0 : i32
    %dma_start3A_25 = arith.constant 0 : i32
    %dma_start3A_26 = tpu.memref_slice %arg6[%dma_start3A_21, %dma_start3A_22, %dma_start3A_24, %dma_start3A_25] : memref<3x2x128x128xf32, #tpu.memory_space<vmem>> -> memref<1x1x128x128xf32, #tpu.memory_space<vmem>>
    %dma_start3A_27 = tpu.memref_squeeze %dma_start3A_26 : memref<1x1x128x128xf32, #tpu.memory_space<vmem>> -> memref<128x128xf32, #tpu.memory_space<vmem>>
    %dma_start3A_28 = arith.constant 0 : i32
    %dma_start3A_29 = tpu.memref_slice %arg5[%dma_start3A_19, %dma_start3A_20, %dma_start3A_28] : memref<32x2x128xi32, #tpu.memory_space<vmem>> -> memref<1x1x128xi32, #tpu.memory_space<vmem>>
    %dma_start3A_30 = tpu.memref_squeeze %dma_start3A_29 : memref<1x1x128xi32, #tpu.memory_space<vmem>> -> memref<128xi32, #tpu.memory_space<vmem>>
    %dma_start3A_31 = arith.constant 0 : i32
    %dma_start3A_32 = arith.constant 0 : i32
    %dma_start3A_33 = tpu.memref_slice %arg2[%dma_start3A_31, %dma_start3A_32] : memref<10000x128xf32, #tpu.memory_space<hbm>> -> memref<10000x128xf32, #tpu.memory_space<hbm>>
    %dma_start3A_34 = tpu.memref_slice %arg7[%dma_start3A_23] : memref<3x!tpu.dma_semaphore, #tpu.memory_space<semaphore_mem>> -> memref<1x!tpu.dma_semaphore, #tpu.memory_space<semaphore_mem>>
    %dma_start3A_35 = tpu.memref_squeeze %dma_start3A_34 : memref<1x!tpu.dma_semaphore, #tpu.memory_space<semaphore_mem>> -> memref<!tpu.dma_semaphore, #tpu.memory_space<semaphore_mem>>
    tpu.enqueue_indirect_dma source(%dma_start3A_33 : memref<10000x128xf32, #tpu.memory_space<hbm>>) target(%dma_start3A_27 : memref<128x128xf32, #tpu.memory_space<vmem>>) offsets(%dma_start3A_30 : memref<128xi32, #tpu.memory_space<vmem>>) semaphore(%dma_start3A_35 : memref<!tpu.dma_semaphore, #tpu.memory_space<semaphore_mem>>)
    %scan3A = arith.constant 0 : i32
    %scan3A_36 = arith.constant 0 : i32
    %scan3A_37 = arith.constant 10 : i32
    %scan3A_38 = arith.addi %scan3A_36, %scan3A_37 : i32
    %scan3A_39 = arith.constant 1 : i32
    scf.for %scan3A_274 = %scan3A_36 to %scan3A_38 step %scan3A_39  : i32 {
      %mul3A_275 = arith.constant 3 : i32
      %mul3A_276 = arith.muli %mul3A_275, %scan3A_274 : i32
      %add3A_277 = arith.constant 0 : i32
      %add3A_278 = arith.addi %mul3A_276, %add3A_277 : i32
      %ge3A = arith.constant 2 : i32
      %ge3A_279 = arith.cmpi sge, %add3A_278, %ge3A : i32
      %convert_element_type3A = arith.extui %ge3A_279 : i1 to i32
      %cond3A = arith.constant 0 : i32
      %cond3A_280 = arith.cmpi ne, %convert_element_type3A, %cond3A : i32
      scf.if %cond3A_280 {
        %sub3A = arith.constant 2 : i32
        %sub3A_566 = arith.subi %add3A_278, %sub3A : i32
        %mul3A_567 = arith.constant 2 : i32
        %mul3A_568 = arith.muli %mul3A_567, %sub3A_566 : i32
        %add3A_569 = arith.addi %mul3A_2, %mul3A_568 : i32
        %dma_wait3A_570 = arith.constant 1 : i32
        %dma_wait3A_571 = arith.constant 1 : i32
        %dma_wait3A_572 = arith.constant 0 : i32
        %dma_wait3A_573 = arith.constant 0 : i32
        %dma_wait3A_574 = arith.constant 0 : i32
        %dma_wait3A_575 = tpu.memref_slice %arg6[%dma_wait3A_570, %dma_wait3A_572, %dma_wait3A_573, %dma_wait3A_574] : memref<3x2x128x128xf32, #tpu.memory_space<vmem>> -> memref<1x2x128x128xf32, #tpu.memory_space<vmem>>
        %dma_wait3A_576 = tpu.memref_squeeze %dma_wait3A_575 : memref<1x2x128x128xf32, #tpu.memory_space<vmem>> -> memref<2x128x128xf32, #tpu.memory_space<vmem>>
        %dma_wait3A_577 = arith.constant 0 : i32
        %dma_wait3A_578 = arith.constant 0 : i32
        %dma_wait3A_579 = tpu.memref_slice %arg4[%add3A_569, %dma_wait3A_577, %dma_wait3A_578] : memref<2048x128x128xf32, #tpu.memory_space<hbm>> -> memref<2x128x128xf32, #tpu.memory_space<hbm>>
        %dma_wait3A_580 = tpu.memref_slice %arg8[%dma_wait3A_571] : memref<3x!tpu.dma_semaphore, #tpu.memory_space<semaphore_mem>> -> memref<1x!tpu.dma_semaphore, #tpu.memory_space<semaphore_mem>>
        %dma_wait3A_581 = tpu.memref_squeeze %dma_wait3A_580 : memref<1x!tpu.dma_semaphore, #tpu.memory_space<semaphore_mem>> -> memref<!tpu.dma_semaphore, #tpu.memory_space<semaphore_mem>>
        %dma_wait3A_582 = arith.constant 0 : i32
        %dma_wait3A_583 = arith.constant 0 : i32
        %dma_wait3A_584 = tpu.memref_slice %arg4[%add3A_569, %dma_wait3A_582, %dma_wait3A_583] : memref<2048x128x128xf32, #tpu.memory_space<hbm>> -> memref<2x128x128xf32, #tpu.memory_space<hbm>>
        %dma_wait3A_585 = arith.constant 0 : i32
        %dma_wait3A_586 = arith.constant 0 : i32
        %dma_wait3A_587 = arith.constant 0 : i32
        %dma_wait3A_588 = tpu.memref_slice %arg6[%dma_wait3A_570, %dma_wait3A_585, %dma_wait3A_586, %dma_wait3A_587] : memref<3x2x128x128xf32, #tpu.memory_space<vmem>> -> memref<1x2x128x128xf32, #tpu.memory_space<vmem>>
        %dma_wait3A_589 = tpu.memref_squeeze %dma_wait3A_588 : memref<1x2x128x128xf32, #tpu.memory_space<vmem>> -> memref<2x128x128xf32, #tpu.memory_space<vmem>>
        tpu.wait_dma2 semaphore(%dma_wait3A_581 : memref<!tpu.dma_semaphore, #tpu.memory_space<semaphore_mem>>) src(%dma_wait3A_589 : memref<2x128x128xf32, #tpu.memory_space<vmem>>) dst(%dma_wait3A_584 : memref<2x128x128xf32, #tpu.memory_space<hbm>>)
      } else {
      }
      %add3A_281 = arith.constant 1 : i32
      %add3A_282 = arith.addi %add3A_278, %add3A_281 : i32
      %dma_start3A_283 = arith.constant 0 : i32
      %dma_start3A_284 = arith.constant 1 : i32
      %dma_start3A_285 = arith.constant 0 : i32
      %dma_start3A_286 = arith.constant 1 : i32
      %dma_start3A_287 = arith.constant 0 : i32
      %dma_start3A_288 = arith.constant 0 : i32
      %dma_start3A_289 = tpu.memref_slice %arg6[%dma_start3A_284, %dma_start3A_285, %dma_start3A_287, %dma_start3A_288] : memref<3x2x128x128xf32, #tpu.memory_space<vmem>> -> memref<1x1x128x128xf32, #tpu.memory_space<vmem>>
      %dma_start3A_290 = tpu.memref_squeeze %dma_start3A_289 : memref<1x1x128x128xf32, #tpu.memory_space<vmem>> -> memref<128x128xf32, #tpu.memory_space<vmem>>
      %dma_start3A_291 = arith.constant 0 : i32
      %dma_start3A_292 = tpu.memref_slice %arg5[%add3A_282, %dma_start3A_283, %dma_start3A_291] : memref<32x2x128xi32, #tpu.memory_space<vmem>> -> memref<1x1x128xi32, #tpu.memory_space<vmem>>
      %dma_start3A_293 = tpu.memref_squeeze %dma_start3A_292 : memref<1x1x128xi32, #tpu.memory_space<vmem>> -> memref<128xi32, #tpu.memory_space<vmem>>
      %dma_start3A_294 = arith.constant 0 : i32
      %dma_start3A_295 = arith.constant 0 : i32
      %dma_start3A_296 = tpu.memref_slice %arg2[%dma_start3A_294, %dma_start3A_295] : memref<10000x128xf32, #tpu.memory_space<hbm>> -> memref<10000x128xf32, #tpu.memory_space<hbm>>
      %dma_start3A_297 = tpu.memref_slice %arg7[%dma_start3A_286] : memref<3x!tpu.dma_semaphore, #tpu.memory_space<semaphore_mem>> -> memref<1x!tpu.dma_semaphore, #tpu.memory_space<semaphore_mem>>
      %dma_start3A_298 = tpu.memref_squeeze %dma_start3A_297 : memref<1x!tpu.dma_semaphore, #tpu.memory_space<semaphore_mem>> -> memref<!tpu.dma_semaphore, #tpu.memory_space<semaphore_mem>>
      tpu.enqueue_indirect_dma source(%dma_start3A_296 : memref<10000x128xf32, #tpu.memory_space<hbm>>) target(%dma_start3A_290 : memref<128x128xf32, #tpu.memory_space<vmem>>) offsets(%dma_start3A_293 : memref<128xi32, #tpu.memory_space<vmem>>) semaphore(%dma_start3A_298 : memref<!tpu.dma_semaphore, #tpu.memory_space<semaphore_mem>>)
      %dma_start3A_299 = arith.constant 1 : i32
      %dma_start3A_300 = arith.constant 1 : i32
      %dma_start3A_301 = arith.constant 1 : i32
      %dma_start3A_302 = arith.constant 1 : i32
      %dma_start3A_303 = arith.constant 0 : i32
      %dma_start3A_304 = arith.constant 0 : i32
      %dma_start3A_305 = tpu.memref_slice %arg6[%dma_start3A_300, %dma_start3A_301, %dma_start3A_303, %dma_start3A_304] : memref<3x2x128x128xf32, #tpu.memory_space<vmem>> -> memref<1x1x128x128xf32, #tpu.memory_space<vmem>>
      %dma_start3A_306 = tpu.memref_squeeze %dma_start3A_305 : memref<1x1x128x128xf32, #tpu.memory_space<vmem>> -> memref<128x128xf32, #tpu.memory_space<vmem>>
      %dma_start3A_307 = arith.constant 0 : i32
      %dma_start3A_308 = tpu.memref_slice %arg5[%add3A_282, %dma_start3A_299, %dma_start3A_307] : memref<32x2x128xi32, #tpu.memory_space<vmem>> -> memref<1x1x128xi32, #tpu.memory_space<vmem>>
      %dma_start3A_309 = tpu.memref_squeeze %dma_start3A_308 : memref<1x1x128xi32, #tpu.memory_space<vmem>> -> memref<128xi32, #tpu.memory_space<vmem>>
      %dma_start3A_310 = arith.constant 0 : i32
      %dma_start3A_311 = arith.constant 0 : i32
      %dma_start3A_312 = tpu.memref_slice %arg2[%dma_start3A_310, %dma_start3A_311] : memref<10000x128xf32, #tpu.memory_space<hbm>> -> memref<10000x128xf32, #tpu.memory_space<hbm>>
      %dma_start3A_313 = tpu.memref_slice %arg7[%dma_start3A_302] : memref<3x!tpu.dma_semaphore, #tpu.memory_space<semaphore_mem>> -> memref<1x!tpu.dma_semaphore, #tpu.memory_space<semaphore_mem>>
      %dma_start3A_314 = tpu.memref_squeeze %dma_start3A_313 : memref<1x!tpu.dma_semaphore, #tpu.memory_space<semaphore_mem>> -> memref<!tpu.dma_semaphore, #tpu.memory_space<semaphore_mem>>
      tpu.enqueue_indirect_dma source(%dma_start3A_312 : memref<10000x128xf32, #tpu.memory_space<hbm>>) target(%dma_start3A_306 : memref<128x128xf32, #tpu.memory_space<vmem>>) offsets(%dma_start3A_309 : memref<128xi32, #tpu.memory_space<vmem>>) semaphore(%dma_start3A_314 : memref<!tpu.dma_semaphore, #tpu.memory_space<semaphore_mem>>)
      %dma_wait3A_315 = arith.constant 0 : i32
      %dma_wait3A_316 = arith.constant 0 : i32
      %dma_wait3A_317 = arith.constant 0 : i32
      %dma_wait3A_318 = arith.constant 0 : i32
      %dma_wait3A_319 = arith.constant 0 : i32
      %dma_wait3A_320 = arith.constant 0 : i32
      %dma_wait3A_321 = tpu.memref_slice %arg6[%dma_wait3A_316, %dma_wait3A_317, %dma_wait3A_319, %dma_wait3A_320] : memref<3x2x128x128xf32, #tpu.memory_space<vmem>> -> memref<1x1x128x128xf32, #tpu.memory_space<vmem>>
      %dma_wait3A_322 = tpu.memref_squeeze %dma_wait3A_321 : memref<1x1x128x128xf32, #tpu.memory_space<vmem>> -> memref<128x128xf32, #tpu.memory_space<vmem>>
      %dma_wait3A_323 = arith.constant 0 : i32
      %dma_wait3A_324 = tpu.memref_slice %arg5[%add3A_278, %dma_wait3A_315, %dma_wait3A_323] : memref<32x2x128xi32, #tpu.memory_space<vmem>> -> memref<1x1x128xi32, #tpu.memory_space<vmem>>
      %dma_wait3A_325 = tpu.memref_squeeze %dma_wait3A_324 : memref<1x1x128xi32, #tpu.memory_space<vmem>> -> memref<128xi32, #tpu.memory_space<vmem>>
      %dma_wait3A_326 = arith.constant 0 : i32
      %dma_wait3A_327 = arith.constant 0 : i32
      %dma_wait3A_328 = tpu.memref_slice %arg2[%dma_wait3A_326, %dma_wait3A_327] : memref<10000x128xf32, #tpu.memory_space<hbm>> -> memref<10000x128xf32, #tpu.memory_space<hbm>>
      %dma_wait3A_329 = tpu.memref_slice %arg7[%dma_wait3A_318] : memref<3x!tpu.dma_semaphore, #tpu.memory_space<semaphore_mem>> -> memref<1x!tpu.dma_semaphore, #tpu.memory_space<semaphore_mem>>
      %dma_wait3A_330 = tpu.memref_squeeze %dma_wait3A_329 : memref<1x!tpu.dma_semaphore, #tpu.memory_space<semaphore_mem>> -> memref<!tpu.dma_semaphore, #tpu.memory_space<semaphore_mem>>
      tpu.wait_indirect_dma semaphore(%dma_wait3A_330 : memref<!tpu.dma_semaphore, #tpu.memory_space<semaphore_mem>>) src(%dma_wait3A_328 : memref<10000x128xf32, #tpu.memory_space<hbm>>) dst(%dma_wait3A_322 : memref<128x128xf32, #tpu.memory_space<vmem>>)
      %dma_wait3A_331 = arith.constant 1 : i32
      %dma_wait3A_332 = arith.constant 0 : i32
      %dma_wait3A_333 = arith.constant 1 : i32
      %dma_wait3A_334 = arith.constant 0 : i32
      %dma_wait3A_335 = arith.constant 0 : i32
      %dma_wait3A_336 = arith.constant 0 : i32
      %dma_wait3A_337 = tpu.memref_slice %arg6[%dma_wait3A_332, %dma_wait3A_333, %dma_wait3A_335, %dma_wait3A_336] : memref<3x2x128x128xf32, #tpu.memory_space<vmem>> -> memref<1x1x128x128xf32, #tpu.memory_space<vmem>>
      %dma_wait3A_338 = tpu.memref_squeeze %dma_wait3A_337 : memref<1x1x128x128xf32, #tpu.memory_space<vmem>> -> memref<128x128xf32, #tpu.memory_space<vmem>>
      %dma_wait3A_339 = arith.constant 0 : i32
      %dma_wait3A_340 = tpu.memref_slice %arg5[%add3A_278, %dma_wait3A_331, %dma_wait3A_339] : memref<32x2x128xi32, #tpu.memory_space<vmem>> -> memref<1x1x128xi32, #tpu.memory_space<vmem>>
      %dma_wait3A_341 = tpu.memref_squeeze %dma_wait3A_340 : memref<1x1x128xi32, #tpu.memory_space<vmem>> -> memref<128xi32, #tpu.memory_space<vmem>>
      %dma_wait3A_342 = arith.constant 0 : i32
      %dma_wait3A_343 = arith.constant 0 : i32
      %dma_wait3A_344 = tpu.memref_slice %arg2[%dma_wait3A_342, %dma_wait3A_343] : memref<10000x128xf32, #tpu.memory_space<hbm>> -> memref<10000x128xf32, #tpu.memory_space<hbm>>
      %dma_wait3A_345 = tpu.memref_slice %arg7[%dma_wait3A_334] : memref<3x!tpu.dma_semaphore, #tpu.memory_space<semaphore_mem>> -> memref<1x!tpu.dma_semaphore, #tpu.memory_space<semaphore_mem>>
      %dma_wait3A_346 = tpu.memref_squeeze %dma_wait3A_345 : memref<1x!tpu.dma_semaphore, #tpu.memory_space<semaphore_mem>> -> memref<!tpu.dma_semaphore, #tpu.memory_space<semaphore_mem>>
      tpu.wait_indirect_dma semaphore(%dma_wait3A_346 : memref<!tpu.dma_semaphore, #tpu.memory_space<semaphore_mem>>) src(%dma_wait3A_344 : memref<10000x128xf32, #tpu.memory_space<hbm>>) dst(%dma_wait3A_338 : memref<128x128xf32, #tpu.memory_space<vmem>>)
      %mul3A_347 = arith.constant 2 : i32
      %mul3A_348 = arith.muli %mul3A_347, %add3A_278 : i32
      %add3A_349 = arith.addi %mul3A_2, %mul3A_348 : i32
      %dma_start3A_350 = arith.constant 0 : i32
      %dma_start3A_351 = arith.constant 0 : i32
      %dma_start3A_352 = arith.constant 0 : i32
      %dma_start3A_353 = arith.constant 0 : i32
      %dma_start3A_354 = arith.constant 0 : i32
      %dma_start3A_355 = tpu.memref_slice %arg6[%dma_start3A_350, %dma_start3A_352, %dma_start3A_353, %dma_start3A_354] : memref<3x2x128x128xf32, #tpu.memory_space<vmem>> -> memref<1x2x128x128xf32, #tpu.memory_space<vmem>>
      %dma_start3A_356 = tpu.memref_squeeze %dma_start3A_355 : memref<1x2x128x128xf32, #tpu.memory_space<vmem>> -> memref<2x128x128xf32, #tpu.memory_space<vmem>>
      %dma_start3A_357 = arith.constant 0 : i32
      %dma_start3A_358 = arith.constant 0 : i32
      %dma_start3A_359 = tpu.memref_slice %arg4[%add3A_349, %dma_start3A_357, %dma_start3A_358] : memref<2048x128x128xf32, #tpu.memory_space<hbm>> -> memref<2x128x128xf32, #tpu.memory_space<hbm>>
      %dma_start3A_360 = tpu.memref_slice %arg8[%dma_start3A_351] : memref<3x!tpu.dma_semaphore, #tpu.memory_space<semaphore_mem>> -> memref<1x!tpu.dma_semaphore, #tpu.memory_space<semaphore_mem>>
      %dma_start3A_361 = tpu.memref_squeeze %dma_start3A_360 : memref<1x!tpu.dma_semaphore, #tpu.memory_space<semaphore_mem>> -> memref<!tpu.dma_semaphore, #tpu.memory_space<semaphore_mem>>
      %dma_start3A_362 = arith.constant 0 : i32
      %dma_start3A_363 = arith.constant 0 : i32
      %dma_start3A_364 = tpu.memref_slice %arg4[%add3A_349, %dma_start3A_362, %dma_start3A_363] : memref<2048x128x128xf32, #tpu.memory_space<hbm>> -> memref<2x128x128xf32, #tpu.memory_space<hbm>>
      %dma_start3A_365 = arith.constant 0 : i32
      %dma_start3A_366 = arith.constant 0 : i32
      %dma_start3A_367 = arith.constant 0 : i32
      %dma_start3A_368 = tpu.memref_slice %arg6[%dma_start3A_350, %dma_start3A_365, %dma_start3A_366, %dma_start3A_367] : memref<3x2x128x128xf32, #tpu.memory_space<vmem>> -> memref<1x2x128x128xf32, #tpu.memory_space<vmem>>
      %dma_start3A_369 = tpu.memref_squeeze %dma_start3A_368 : memref<1x2x128x128xf32, #tpu.memory_space<vmem>> -> memref<2x128x128xf32, #tpu.memory_space<vmem>>
      tpu.enqueue_dma source(%dma_start3A_369 : memref<2x128x128xf32, #tpu.memory_space<vmem>>) target(%dma_start3A_364 : memref<2x128x128xf32, #tpu.memory_space<hbm>>) target_semaphore(%dma_start3A_361 : memref<!tpu.dma_semaphore, #tpu.memory_space<semaphore_mem>>)
      %mul3A_370 = arith.constant 3 : i32
      %mul3A_371 = arith.muli %mul3A_370, %scan3A_274 : i32
      %add3A_372 = arith.constant 1 : i32
      %add3A_373 = arith.addi %mul3A_371, %add3A_372 : i32
      %ge3A_374 = arith.constant 2 : i32
      %ge3A_375 = arith.cmpi sge, %add3A_373, %ge3A_374 : i32
      %convert_element_type3A_376 = arith.extui %ge3A_375 : i1 to i32
      %cond3A_377 = arith.constant 0 : i32
      %cond3A_378 = arith.cmpi ne, %convert_element_type3A_376, %cond3A_377 : i32
      scf.if %cond3A_378 {
        %sub3A = arith.constant 2 : i32
        %sub3A_566 = arith.subi %add3A_373, %sub3A : i32
        %mul3A_567 = arith.constant 2 : i32
        %mul3A_568 = arith.muli %mul3A_567, %sub3A_566 : i32
        %add3A_569 = arith.addi %mul3A_2, %mul3A_568 : i32
        %dma_wait3A_570 = arith.constant 2 : i32
        %dma_wait3A_571 = arith.constant 2 : i32
        %dma_wait3A_572 = arith.constant 0 : i32
        %dma_wait3A_573 = arith.constant 0 : i32
        %dma_wait3A_574 = arith.constant 0 : i32
        %dma_wait3A_575 = tpu.memref_slice %arg6[%dma_wait3A_570, %dma_wait3A_572, %dma_wait3A_573, %dma_wait3A_574] : memref<3x2x128x128xf32, #tpu.memory_space<vmem>> -> memref<1x2x128x128xf32, #tpu.memory_space<vmem>>
        %dma_wait3A_576 = tpu.memref_squeeze %dma_wait3A_575 : memref<1x2x128x128xf32, #tpu.memory_space<vmem>> -> memref<2x128x128xf32, #tpu.memory_space<vmem>>
        %dma_wait3A_577 = arith.constant 0 : i32
        %dma_wait3A_578 = arith.constant 0 : i32
        %dma_wait3A_579 = tpu.memref_slice %arg4[%add3A_569, %dma_wait3A_577, %dma_wait3A_578] : memref<2048x128x128xf32, #tpu.memory_space<hbm>> -> memref<2x128x128xf32, #tpu.memory_space<hbm>>
        %dma_wait3A_580 = tpu.memref_slice %arg8[%dma_wait3A_571] : memref<3x!tpu.dma_semaphore, #tpu.memory_space<semaphore_mem>> -> memref<1x!tpu.dma_semaphore, #tpu.memory_space<semaphore_mem>>
        %dma_wait3A_581 = tpu.memref_squeeze %dma_wait3A_580 : memref<1x!tpu.dma_semaphore, #tpu.memory_space<semaphore_mem>> -> memref<!tpu.dma_semaphore, #tpu.memory_space<semaphore_mem>>
        %dma_wait3A_582 = arith.constant 0 : i32
        %dma_wait3A_583 = arith.constant 0 : i32
        %dma_wait3A_584 = tpu.memref_slice %arg4[%add3A_569, %dma_wait3A_582, %dma_wait3A_583] : memref<2048x128x128xf32, #tpu.memory_space<hbm>> -> memref<2x128x128xf32, #tpu.memory_space<hbm>>
        %dma_wait3A_585 = arith.constant 0 : i32
        %dma_wait3A_586 = arith.constant 0 : i32
        %dma_wait3A_587 = arith.constant 0 : i32
        %dma_wait3A_588 = tpu.memref_slice %arg6[%dma_wait3A_570, %dma_wait3A_585, %dma_wait3A_586, %dma_wait3A_587] : memref<3x2x128x128xf32, #tpu.memory_space<vmem>> -> memref<1x2x128x128xf32, #tpu.memory_space<vmem>>
        %dma_wait3A_589 = tpu.memref_squeeze %dma_wait3A_588 : memref<1x2x128x128xf32, #tpu.memory_space<vmem>> -> memref<2x128x128xf32, #tpu.memory_space<vmem>>
        tpu.wait_dma2 semaphore(%dma_wait3A_581 : memref<!tpu.dma_semaphore, #tpu.memory_space<semaphore_mem>>) src(%dma_wait3A_589 : memref<2x128x128xf32, #tpu.memory_space<vmem>>) dst(%dma_wait3A_584 : memref<2x128x128xf32, #tpu.memory_space<hbm>>)
      } else {
      }
      %add3A_379 = arith.constant 1 : i32
      %add3A_380 = arith.addi %add3A_373, %add3A_379 : i32
      %dma_start3A_381 = arith.constant 0 : i32
      %dma_start3A_382 = arith.constant 2 : i32
      %dma_start3A_383 = arith.constant 0 : i32
      %dma_start3A_384 = arith.constant 2 : i32
      %dma_start3A_385 = arith.constant 0 : i32
      %dma_start3A_386 = arith.constant 0 : i32
      %dma_start3A_387 = tpu.memref_slice %arg6[%dma_start3A_382, %dma_start3A_383, %dma_start3A_385, %dma_start3A_386] : memref<3x2x128x128xf32, #tpu.memory_space<vmem>> -> memref<1x1x128x128xf32, #tpu.memory_space<vmem>>
      %dma_start3A_388 = tpu.memref_squeeze %dma_start3A_387 : memref<1x1x128x128xf32, #tpu.memory_space<vmem>> -> memref<128x128xf32, #tpu.memory_space<vmem>>
      %dma_start3A_389 = arith.constant 0 : i32
      %dma_start3A_390 = tpu.memref_slice %arg5[%add3A_380, %dma_start3A_381, %dma_start3A_389] : memref<32x2x128xi32, #tpu.memory_space<vmem>> -> memref<1x1x128xi32, #tpu.memory_space<vmem>>
      %dma_start3A_391 = tpu.memref_squeeze %dma_start3A_390 : memref<1x1x128xi32, #tpu.memory_space<vmem>> -> memref<128xi32, #tpu.memory_space<vmem>>
      %dma_start3A_392 = arith.constant 0 : i32
      %dma_start3A_393 = arith.constant 0 : i32
      %dma_start3A_394 = tpu.memref_slice %arg2[%dma_start3A_392, %dma_start3A_393] : memref<10000x128xf32, #tpu.memory_space<hbm>> -> memref<10000x128xf32, #tpu.memory_space<hbm>>
      %dma_start3A_395 = tpu.memref_slice %arg7[%dma_start3A_384] : memref<3x!tpu.dma_semaphore, #tpu.memory_space<semaphore_mem>> -> memref<1x!tpu.dma_semaphore, #tpu.memory_space<semaphore_mem>>
      %dma_start3A_396 = tpu.memref_squeeze %dma_start3A_395 : memref<1x!tpu.dma_semaphore, #tpu.memory_space<semaphore_mem>> -> memref<!tpu.dma_semaphore, #tpu.memory_space<semaphore_mem>>
      tpu.enqueue_indirect_dma source(%dma_start3A_394 : memref<10000x128xf32, #tpu.memory_space<hbm>>) target(%dma_start3A_388 : memref<128x128xf32, #tpu.memory_space<vmem>>) offsets(%dma_start3A_391 : memref<128xi32, #tpu.memory_space<vmem>>) semaphore(%dma_start3A_396 : memref<!tpu.dma_semaphore, #tpu.memory_space<semaphore_mem>>)
      %dma_start3A_397 = arith.constant 1 : i32
      %dma_start3A_398 = arith.constant 2 : i32
      %dma_start3A_399 = arith.constant 1 : i32
      %dma_start3A_400 = arith.constant 2 : i32
      %dma_start3A_401 = arith.constant 0 : i32
      %dma_start3A_402 = arith.constant 0 : i32
      %dma_start3A_403 = tpu.memref_slice %arg6[%dma_start3A_398, %dma_start3A_399, %dma_start3A_401, %dma_start3A_402] : memref<3x2x128x128xf32, #tpu.memory_space<vmem>> -> memref<1x1x128x128xf32, #tpu.memory_space<vmem>>
      %dma_start3A_404 = tpu.memref_squeeze %dma_start3A_403 : memref<1x1x128x128xf32, #tpu.memory_space<vmem>> -> memref<128x128xf32, #tpu.memory_space<vmem>>
      %dma_start3A_405 = arith.constant 0 : i32
      %dma_start3A_406 = tpu.memref_slice %arg5[%add3A_380, %dma_start3A_397, %dma_start3A_405] : memref<32x2x128xi32, #tpu.memory_space<vmem>> -> memref<1x1x128xi32, #tpu.memory_space<vmem>>
      %dma_start3A_407 = tpu.memref_squeeze %dma_start3A_406 : memref<1x1x128xi32, #tpu.memory_space<vmem>> -> memref<128xi32, #tpu.memory_space<vmem>>
      %dma_start3A_408 = arith.constant 0 : i32
      %dma_start3A_409 = arith.constant 0 : i32
      %dma_start3A_410 = tpu.memref_slice %arg2[%dma_start3A_408, %dma_start3A_409] : memref<10000x128xf32, #tpu.memory_space<hbm>> -> memref<10000x128xf32, #tpu.memory_space<hbm>>
      %dma_start3A_411 = tpu.memref_slice %arg7[%dma_start3A_400] : memref<3x!tpu.dma_semaphore, #tpu.memory_space<semaphore_mem>> -> memref<1x!tpu.dma_semaphore, #tpu.memory_space<semaphore_mem>>
      %dma_start3A_412 = tpu.memref_squeeze %dma_start3A_411 : memref<1x!tpu.dma_semaphore, #tpu.memory_space<semaphore_mem>> -> memref<!tpu.dma_semaphore, #tpu.memory_space<semaphore_mem>>
      tpu.enqueue_indirect_dma source(%dma_start3A_410 : memref<10000x128xf32, #tpu.memory_space<hbm>>) target(%dma_start3A_404 : memref<128x128xf32, #tpu.memory_space<vmem>>) offsets(%dma_start3A_407 : memref<128xi32, #tpu.memory_space<vmem>>) semaphore(%dma_start3A_412 : memref<!tpu.dma_semaphore, #tpu.memory_space<semaphore_mem>>)
      %dma_wait3A_413 = arith.constant 0 : i32
      %dma_wait3A_414 = arith.constant 1 : i32
      %dma_wait3A_415 = arith.constant 0 : i32
      %dma_wait3A_416 = arith.constant 1 : i32
      %dma_wait3A_417 = arith.constant 0 : i32
      %dma_wait3A_418 = arith.constant 0 : i32
      %dma_wait3A_419 = tpu.memref_slice %arg6[%dma_wait3A_414, %dma_wait3A_415, %dma_wait3A_417, %dma_wait3A_418] : memref<3x2x128x128xf32, #tpu.memory_space<vmem>> -> memref<1x1x128x128xf32, #tpu.memory_space<vmem>>
      %dma_wait3A_420 = tpu.memref_squeeze %dma_wait3A_419 : memref<1x1x128x128xf32, #tpu.memory_space<vmem>> -> memref<128x128xf32, #tpu.memory_space<vmem>>
      %dma_wait3A_421 = arith.constant 0 : i32
      %dma_wait3A_422 = tpu.memref_slice %arg5[%add3A_373, %dma_wait3A_413, %dma_wait3A_421] : memref<32x2x128xi32, #tpu.memory_space<vmem>> -> memref<1x1x128xi32, #tpu.memory_space<vmem>>
      %dma_wait3A_423 = tpu.memref_squeeze %dma_wait3A_422 : memref<1x1x128xi32, #tpu.memory_space<vmem>> -> memref<128xi32, #tpu.memory_space<vmem>>
      %dma_wait3A_424 = arith.constant 0 : i32
      %dma_wait3A_425 = arith.constant 0 : i32
      %dma_wait3A_426 = tpu.memref_slice %arg2[%dma_wait3A_424, %dma_wait3A_425] : memref<10000x128xf32, #tpu.memory_space<hbm>> -> memref<10000x128xf32, #tpu.memory_space<hbm>>
      %dma_wait3A_427 = tpu.memref_slice %arg7[%dma_wait3A_416] : memref<3x!tpu.dma_semaphore, #tpu.memory_space<semaphore_mem>> -> memref<1x!tpu.dma_semaphore, #tpu.memory_space<semaphore_mem>>
      %dma_wait3A_428 = tpu.memref_squeeze %dma_wait3A_427 : memref<1x!tpu.dma_semaphore, #tpu.memory_space<semaphore_mem>> -> memref<!tpu.dma_semaphore, #tpu.memory_space<semaphore_mem>>
      tpu.wait_indirect_dma semaphore(%dma_wait3A_428 : memref<!tpu.dma_semaphore, #tpu.memory_space<semaphore_mem>>) src(%dma_wait3A_426 : memref<10000x128xf32, #tpu.memory_space<hbm>>) dst(%dma_wait3A_420 : memref<128x128xf32, #tpu.memory_space<vmem>>)
      %dma_wait3A_429 = arith.constant 1 : i32
      %dma_wait3A_430 = arith.constant 1 : i32
      %dma_wait3A_431 = arith.constant 1 : i32
      %dma_wait3A_432 = arith.constant 1 : i32
      %dma_wait3A_433 = arith.constant 0 : i32
      %dma_wait3A_434 = arith.constant 0 : i32
      %dma_wait3A_435 = tpu.memref_slice %arg6[%dma_wait3A_430, %dma_wait3A_431, %dma_wait3A_433, %dma_wait3A_434] : memref<3x2x128x128xf32, #tpu.memory_space<vmem>> -> memref<1x1x128x128xf32, #tpu.memory_space<vmem>>
      %dma_wait3A_436 = tpu.memref_squeeze %dma_wait3A_435 : memref<1x1x128x128xf32, #tpu.memory_space<vmem>> -> memref<128x128xf32, #tpu.memory_space<vmem>>
      %dma_wait3A_437 = arith.constant 0 : i32
      %dma_wait3A_438 = tpu.memref_slice %arg5[%add3A_373, %dma_wait3A_429, %dma_wait3A_437] : memref<32x2x128xi32, #tpu.memory_space<vmem>> -> memref<1x1x128xi32, #tpu.memory_space<vmem>>
      %dma_wait3A_439 = tpu.memref_squeeze %dma_wait3A_438 : memref<1x1x128xi32, #tpu.memory_space<vmem>> -> memref<128xi32, #tpu.memory_space<vmem>>
      %dma_wait3A_440 = arith.constant 0 : i32
      %dma_wait3A_441 = arith.constant 0 : i32
      %dma_wait3A_442 = tpu.memref_slice %arg2[%dma_wait3A_440, %dma_wait3A_441] : memref<10000x128xf32, #tpu.memory_space<hbm>> -> memref<10000x128xf32, #tpu.memory_space<hbm>>
      %dma_wait3A_443 = tpu.memref_slice %arg7[%dma_wait3A_432] : memref<3x!tpu.dma_semaphore, #tpu.memory_space<semaphore_mem>> -> memref<1x!tpu.dma_semaphore, #tpu.memory_space<semaphore_mem>>
      %dma_wait3A_444 = tpu.memref_squeeze %dma_wait3A_443 : memref<1x!tpu.dma_semaphore, #tpu.memory_space<semaphore_mem>> -> memref<!tpu.dma_semaphore, #tpu.memory_space<semaphore_mem>>
      tpu.wait_indirect_dma semaphore(%dma_wait3A_444 : memref<!tpu.dma_semaphore, #tpu.memory_space<semaphore_mem>>) src(%dma_wait3A_442 : memref<10000x128xf32, #tpu.memory_space<hbm>>) dst(%dma_wait3A_436 : memref<128x128xf32, #tpu.memory_space<vmem>>)
      %mul3A_445 = arith.constant 2 : i32
      %mul3A_446 = arith.muli %mul3A_445, %add3A_373 : i32
      %add3A_447 = arith.addi %mul3A_2, %mul3A_446 : i32
      %dma_start3A_448 = arith.constant 1 : i32
      %dma_start3A_449 = arith.constant 1 : i32
      %dma_start3A_450 = arith.constant 0 : i32
      %dma_start3A_451 = arith.constant 0 : i32
      %dma_start3A_452 = arith.constant 0 : i32
      %dma_start3A_453 = tpu.memref_slice %arg6[%dma_start3A_448, %dma_start3A_450, %dma_start3A_451, %dma_start3A_452] : memref<3x2x128x128xf32, #tpu.memory_space<vmem>> -> memref<1x2x128x128xf32, #tpu.memory_space<vmem>>
      %dma_start3A_454 = tpu.memref_squeeze %dma_start3A_453 : memref<1x2x128x128xf32, #tpu.memory_space<vmem>> -> memref<2x128x128xf32, #tpu.memory_space<vmem>>
      %dma_start3A_455 = arith.constant 0 : i32
      %dma_start3A_456 = arith.constant 0 : i32
      %dma_start3A_457 = tpu.memref_slice %arg4[%add3A_447, %dma_start3A_455, %dma_start3A_456] : memref<2048x128x128xf32, #tpu.memory_space<hbm>> -> memref<2x128x128xf32, #tpu.memory_space<hbm>>
      %dma_start3A_458 = tpu.memref_slice %arg8[%dma_start3A_449] : memref<3x!tpu.dma_semaphore, #tpu.memory_space<semaphore_mem>> -> memref<1x!tpu.dma_semaphore, #tpu.memory_space<semaphore_mem>>
      %dma_start3A_459 = tpu.memref_squeeze %dma_start3A_458 : memref<1x!tpu.dma_semaphore, #tpu.memory_space<semaphore_mem>> -> memref<!tpu.dma_semaphore, #tpu.memory_space<semaphore_mem>>
      %dma_start3A_460 = arith.constant 0 : i32
      %dma_start3A_461 = arith.constant 0 : i32
      %dma_start3A_462 = tpu.memref_slice %arg4[%add3A_447, %dma_start3A_460, %dma_start3A_461] : memref<2048x128x128xf32, #tpu.memory_space<hbm>> -> memref<2x128x128xf32, #tpu.memory_space<hbm>>
      %dma_start3A_463 = arith.constant 0 : i32
      %dma_start3A_464 = arith.constant 0 : i32
      %dma_start3A_465 = arith.constant 0 : i32
      %dma_start3A_466 = tpu.memref_slice %arg6[%dma_start3A_448, %dma_start3A_463, %dma_start3A_464, %dma_start3A_465] : memref<3x2x128x128xf32, #tpu.memory_space<vmem>> -> memref<1x2x128x128xf32, #tpu.memory_space<vmem>>
      %dma_start3A_467 = tpu.memref_squeeze %dma_start3A_466 : memref<1x2x128x128xf32, #tpu.memory_space<vmem>> -> memref<2x128x128xf32, #tpu.memory_space<vmem>>
      tpu.enqueue_dma source(%dma_start3A_467 : memref<2x128x128xf32, #tpu.memory_space<vmem>>) target(%dma_start3A_462 : memref<2x128x128xf32, #tpu.memory_space<hbm>>) target_semaphore(%dma_start3A_459 : memref<!tpu.dma_semaphore, #tpu.memory_space<semaphore_mem>>)
      %mul3A_468 = arith.constant 3 : i32
      %mul3A_469 = arith.muli %mul3A_468, %scan3A_274 : i32
      %add3A_470 = arith.constant 2 : i32
      %add3A_471 = arith.addi %mul3A_469, %add3A_470 : i32
      %ge3A_472 = arith.constant 2 : i32
      %ge3A_473 = arith.cmpi sge, %add3A_471, %ge3A_472 : i32
      %convert_element_type3A_474 = arith.extui %ge3A_473 : i1 to i32
      %cond3A_475 = arith.constant 0 : i32
      %cond3A_476 = arith.cmpi ne, %convert_element_type3A_474, %cond3A_475 : i32
      scf.if %cond3A_476 {
        %sub3A = arith.constant 2 : i32
        %sub3A_566 = arith.subi %add3A_471, %sub3A : i32
        %mul3A_567 = arith.constant 2 : i32
        %mul3A_568 = arith.muli %mul3A_567, %sub3A_566 : i32
        %add3A_569 = arith.addi %mul3A_2, %mul3A_568 : i32
        %dma_wait3A_570 = arith.constant 0 : i32
        %dma_wait3A_571 = arith.constant 0 : i32
        %dma_wait3A_572 = arith.constant 0 : i32
        %dma_wait3A_573 = arith.constant 0 : i32
        %dma_wait3A_574 = arith.constant 0 : i32
        %dma_wait3A_575 = tpu.memref_slice %arg6[%dma_wait3A_570, %dma_wait3A_572, %dma_wait3A_573, %dma_wait3A_574] : memref<3x2x128x128xf32, #tpu.memory_space<vmem>> -> memref<1x2x128x128xf32, #tpu.memory_space<vmem>>
        %dma_wait3A_576 = tpu.memref_squeeze %dma_wait3A_575 : memref<1x2x128x128xf32, #tpu.memory_space<vmem>> -> memref<2x128x128xf32, #tpu.memory_space<vmem>>
        %dma_wait3A_577 = arith.constant 0 : i32
        %dma_wait3A_578 = arith.constant 0 : i32
        %dma_wait3A_579 = tpu.memref_slice %arg4[%add3A_569, %dma_wait3A_577, %dma_wait3A_578] : memref<2048x128x128xf32, #tpu.memory_space<hbm>> -> memref<2x128x128xf32, #tpu.memory_space<hbm>>
        %dma_wait3A_580 = tpu.memref_slice %arg8[%dma_wait3A_571] : memref<3x!tpu.dma_semaphore, #tpu.memory_space<semaphore_mem>> -> memref<1x!tpu.dma_semaphore, #tpu.memory_space<semaphore_mem>>
        %dma_wait3A_581 = tpu.memref_squeeze %dma_wait3A_580 : memref<1x!tpu.dma_semaphore, #tpu.memory_space<semaphore_mem>> -> memref<!tpu.dma_semaphore, #tpu.memory_space<semaphore_mem>>
        %dma_wait3A_582 = arith.constant 0 : i32
        %dma_wait3A_583 = arith.constant 0 : i32
        %dma_wait3A_584 = tpu.memref_slice %arg4[%add3A_569, %dma_wait3A_582, %dma_wait3A_583] : memref<2048x128x128xf32, #tpu.memory_space<hbm>> -> memref<2x128x128xf32, #tpu.memory_space<hbm>>
        %dma_wait3A_585 = arith.constant 0 : i32
        %dma_wait3A_586 = arith.constant 0 : i32
        %dma_wait3A_587 = arith.constant 0 : i32
        %dma_wait3A_588 = tpu.memref_slice %arg6[%dma_wait3A_570, %dma_wait3A_585, %dma_wait3A_586, %dma_wait3A_587] : memref<3x2x128x128xf32, #tpu.memory_space<vmem>> -> memref<1x2x128x128xf32, #tpu.memory_space<vmem>>
        %dma_wait3A_589 = tpu.memref_squeeze %dma_wait3A_588 : memref<1x2x128x128xf32, #tpu.memory_space<vmem>> -> memref<2x128x128xf32, #tpu.memory_space<vmem>>
        tpu.wait_dma2 semaphore(%dma_wait3A_581 : memref<!tpu.dma_semaphore, #tpu.memory_space<semaphore_mem>>) src(%dma_wait3A_589 : memref<2x128x128xf32, #tpu.memory_space<vmem>>) dst(%dma_wait3A_584 : memref<2x128x128xf32, #tpu.memory_space<hbm>>)
      } else {
      }
      %add3A_477 = arith.constant 1 : i32
      %add3A_478 = arith.addi %add3A_471, %add3A_477 : i32
      %dma_start3A_479 = arith.constant 0 : i32
      %dma_start3A_480 = arith.constant 0 : i32
      %dma_start3A_481 = arith.constant 0 : i32
      %dma_start3A_482 = arith.constant 0 : i32
      %dma_start3A_483 = arith.constant 0 : i32
      %dma_start3A_484 = arith.constant 0 : i32
      %dma_start3A_485 = tpu.memref_slice %arg6[%dma_start3A_480, %dma_start3A_481, %dma_start3A_483, %dma_start3A_484] : memref<3x2x128x128xf32, #tpu.memory_space<vmem>> -> memref<1x1x128x128xf32, #tpu.memory_space<vmem>>
      %dma_start3A_486 = tpu.memref_squeeze %dma_start3A_485 : memref<1x1x128x128xf32, #tpu.memory_space<vmem>> -> memref<128x128xf32, #tpu.memory_space<vmem>>
      %dma_start3A_487 = arith.constant 0 : i32
      %dma_start3A_488 = tpu.memref_slice %arg5[%add3A_478, %dma_start3A_479, %dma_start3A_487] : memref<32x2x128xi32, #tpu.memory_space<vmem>> -> memref<1x1x128xi32, #tpu.memory_space<vmem>>
      %dma_start3A_489 = tpu.memref_squeeze %dma_start3A_488 : memref<1x1x128xi32, #tpu.memory_space<vmem>> -> memref<128xi32, #tpu.memory_space<vmem>>
      %dma_start3A_490 = arith.constant 0 : i32
      %dma_start3A_491 = arith.constant 0 : i32
      %dma_start3A_492 = tpu.memref_slice %arg2[%dma_start3A_490, %dma_start3A_491] : memref<10000x128xf32, #tpu.memory_space<hbm>> -> memref<10000x128xf32, #tpu.memory_space<hbm>>
      %dma_start3A_493 = tpu.memref_slice %arg7[%dma_start3A_482] : memref<3x!tpu.dma_semaphore, #tpu.memory_space<semaphore_mem>> -> memref<1x!tpu.dma_semaphore, #tpu.memory_space<semaphore_mem>>
      %dma_start3A_494 = tpu.memref_squeeze %dma_start3A_493 : memref<1x!tpu.dma_semaphore, #tpu.memory_space<semaphore_mem>> -> memref<!tpu.dma_semaphore, #tpu.memory_space<semaphore_mem>>
      tpu.enqueue_indirect_dma source(%dma_start3A_492 : memref<10000x128xf32, #tpu.memory_space<hbm>>) target(%dma_start3A_486 : memref<128x128xf32, #tpu.memory_space<vmem>>) offsets(%dma_start3A_489 : memref<128xi32, #tpu.memory_space<vmem>>) semaphore(%dma_start3A_494 : memref<!tpu.dma_semaphore, #tpu.memory_space<semaphore_mem>>)
      %dma_start3A_495 = arith.constant 1 : i32
      %dma_start3A_496 = arith.constant 0 : i32
      %dma_start3A_497 = arith.constant 1 : i32
      %dma_start3A_498 = arith.constant 0 : i32
      %dma_start3A_499 = arith.constant 0 : i32
      %dma_start3A_500 = arith.constant 0 : i32
      %dma_start3A_501 = tpu.memref_slice %arg6[%dma_start3A_496, %dma_start3A_497, %dma_start3A_499, %dma_start3A_500] : memref<3x2x128x128xf32, #tpu.memory_space<vmem>> -> memref<1x1x128x128xf32, #tpu.memory_space<vmem>>
      %dma_start3A_502 = tpu.memref_squeeze %dma_start3A_501 : memref<1x1x128x128xf32, #tpu.memory_space<vmem>> -> memref<128x128xf32, #tpu.memory_space<vmem>>
      %dma_start3A_503 = arith.constant 0 : i32
      %dma_start3A_504 = tpu.memref_slice %arg5[%add3A_478, %dma_start3A_495, %dma_start3A_503] : memref<32x2x128xi32, #tpu.memory_space<vmem>> -> memref<1x1x128xi32, #tpu.memory_space<vmem>>
      %dma_start3A_505 = tpu.memref_squeeze %dma_start3A_504 : memref<1x1x128xi32, #tpu.memory_space<vmem>> -> memref<128xi32, #tpu.memory_space<vmem>>
      %dma_start3A_506 = arith.constant 0 : i32
      %dma_start3A_507 = arith.constant 0 : i32
      %dma_start3A_508 = tpu.memref_slice %arg2[%dma_start3A_506, %dma_start3A_507] : memref<10000x128xf32, #tpu.memory_space<hbm>> -> memref<10000x128xf32, #tpu.memory_space<hbm>>
      %dma_start3A_509 = tpu.memref_slice %arg7[%dma_start3A_498] : memref<3x!tpu.dma_semaphore, #tpu.memory_space<semaphore_mem>> -> memref<1x!tpu.dma_semaphore, #tpu.memory_space<semaphore_mem>>
      %dma_start3A_510 = tpu.memref_squeeze %dma_start3A_509 : memref<1x!tpu.dma_semaphore, #tpu.memory_space<semaphore_mem>> -> memref<!tpu.dma_semaphore, #tpu.memory_space<semaphore_mem>>
      tpu.enqueue_indirect_dma source(%dma_start3A_508 : memref<10000x128xf32, #tpu.memory_space<hbm>>) target(%dma_start3A_502 : memref<128x128xf32, #tpu.memory_space<vmem>>) offsets(%dma_start3A_505 : memref<128xi32, #tpu.memory_space<vmem>>) semaphore(%dma_start3A_510 : memref<!tpu.dma_semaphore, #tpu.memory_space<semaphore_mem>>)
      %dma_wait3A_511 = arith.constant 0 : i32
      %dma_wait3A_512 = arith.constant 2 : i32
      %dma_wait3A_513 = arith.constant 0 : i32
      %dma_wait3A_514 = arith.constant 2 : i32
      %dma_wait3A_515 = arith.constant 0 : i32
      %dma_wait3A_516 = arith.constant 0 : i32
      %dma_wait3A_517 = tpu.memref_slice %arg6[%dma_wait3A_512, %dma_wait3A_513, %dma_wait3A_515, %dma_wait3A_516] : memref<3x2x128x128xf32, #tpu.memory_space<vmem>> -> memref<1x1x128x128xf32, #tpu.memory_space<vmem>>
      %dma_wait3A_518 = tpu.memref_squeeze %dma_wait3A_517 : memref<1x1x128x128xf32, #tpu.memory_space<vmem>> -> memref<128x128xf32, #tpu.memory_space<vmem>>
      %dma_wait3A_519 = arith.constant 0 : i32
      %dma_wait3A_520 = tpu.memref_slice %arg5[%add3A_471, %dma_wait3A_511, %dma_wait3A_519] : memref<32x2x128xi32, #tpu.memory_space<vmem>> -> memref<1x1x128xi32, #tpu.memory_space<vmem>>
      %dma_wait3A_521 = tpu.memref_squeeze %dma_wait3A_520 : memref<1x1x128xi32, #tpu.memory_space<vmem>> -> memref<128xi32, #tpu.memory_space<vmem>>
      %dma_wait3A_522 = arith.constant 0 : i32
      %dma_wait3A_523 = arith.constant 0 : i32
      %dma_wait3A_524 = tpu.memref_slice %arg2[%dma_wait3A_522, %dma_wait3A_523] : memref<10000x128xf32, #tpu.memory_space<hbm>> -> memref<10000x128xf32, #tpu.memory_space<hbm>>
      %dma_wait3A_525 = tpu.memref_slice %arg7[%dma_wait3A_514] : memref<3x!tpu.dma_semaphore, #tpu.memory_space<semaphore_mem>> -> memref<1x!tpu.dma_semaphore, #tpu.memory_space<semaphore_mem>>
      %dma_wait3A_526 = tpu.memref_squeeze %dma_wait3A_525 : memref<1x!tpu.dma_semaphore, #tpu.memory_space<semaphore_mem>> -> memref<!tpu.dma_semaphore, #tpu.memory_space<semaphore_mem>>
      tpu.wait_indirect_dma semaphore(%dma_wait3A_526 : memref<!tpu.dma_semaphore, #tpu.memory_space<semaphore_mem>>) src(%dma_wait3A_524 : memref<10000x128xf32, #tpu.memory_space<hbm>>) dst(%dma_wait3A_518 : memref<128x128xf32, #tpu.memory_space<vmem>>)
      %dma_wait3A_527 = arith.constant 1 : i32
      %dma_wait3A_528 = arith.constant 2 : i32
      %dma_wait3A_529 = arith.constant 1 : i32
      %dma_wait3A_530 = arith.constant 2 : i32
      %dma_wait3A_531 = arith.constant 0 : i32
      %dma_wait3A_532 = arith.constant 0 : i32
      %dma_wait3A_533 = tpu.memref_slice %arg6[%dma_wait3A_528, %dma_wait3A_529, %dma_wait3A_531, %dma_wait3A_532] : memref<3x2x128x128xf32, #tpu.memory_space<vmem>> -> memref<1x1x128x128xf32, #tpu.memory_space<vmem>>
      %dma_wait3A_534 = tpu.memref_squeeze %dma_wait3A_533 : memref<1x1x128x128xf32, #tpu.memory_space<vmem>> -> memref<128x128xf32, #tpu.memory_space<vmem>>
      %dma_wait3A_535 = arith.constant 0 : i32
      %dma_wait3A_536 = tpu.memref_slice %arg5[%add3A_471, %dma_wait3A_527, %dma_wait3A_535] : memref<32x2x128xi32, #tpu.memory_space<vmem>> -> memref<1x1x128xi32, #tpu.memory_space<vmem>>
      %dma_wait3A_537 = tpu.memref_squeeze %dma_wait3A_536 : memref<1x1x128xi32, #tpu.memory_space<vmem>> -> memref<128xi32, #tpu.memory_space<vmem>>
      %dma_wait3A_538 = arith.constant 0 : i32
      %dma_wait3A_539 = arith.constant 0 : i32
      %dma_wait3A_540 = tpu.memref_slice %arg2[%dma_wait3A_538, %dma_wait3A_539] : memref<10000x128xf32, #tpu.memory_space<hbm>> -> memref<10000x128xf32, #tpu.memory_space<hbm>>
      %dma_wait3A_541 = tpu.memref_slice %arg7[%dma_wait3A_530] : memref<3x!tpu.dma_semaphore, #tpu.memory_space<semaphore_mem>> -> memref<1x!tpu.dma_semaphore, #tpu.memory_space<semaphore_mem>>
      %dma_wait3A_542 = tpu.memref_squeeze %dma_wait3A_541 : memref<1x!tpu.dma_semaphore, #tpu.memory_space<semaphore_mem>> -> memref<!tpu.dma_semaphore, #tpu.memory_space<semaphore_mem>>
      tpu.wait_indirect_dma semaphore(%dma_wait3A_542 : memref<!tpu.dma_semaphore, #tpu.memory_space<semaphore_mem>>) src(%dma_wait3A_540 : memref<10000x128xf32, #tpu.memory_space<hbm>>) dst(%dma_wait3A_534 : memref<128x128xf32, #tpu.memory_space<vmem>>)
      %mul3A_543 = arith.constant 2 : i32
      %mul3A_544 = arith.muli %mul3A_543, %add3A_471 : i32
      %add3A_545 = arith.addi %mul3A_2, %mul3A_544 : i32
      %dma_start3A_546 = arith.constant 2 : i32
      %dma_start3A_547 = arith.constant 2 : i32
      %dma_start3A_548 = arith.constant 0 : i32
      %dma_start3A_549 = arith.constant 0 : i32
      %dma_start3A_550 = arith.constant 0 : i32
      %dma_start3A_551 = tpu.memref_slice %arg6[%dma_start3A_546, %dma_start3A_548, %dma_start3A_549, %dma_start3A_550] : memref<3x2x128x128xf32, #tpu.memory_space<vmem>> -> memref<1x2x128x128xf32, #tpu.memory_space<vmem>>
      %dma_start3A_552 = tpu.memref_squeeze %dma_start3A_551 : memref<1x2x128x128xf32, #tpu.memory_space<vmem>> -> memref<2x128x128xf32, #tpu.memory_space<vmem>>
      %dma_start3A_553 = arith.constant 0 : i32
      %dma_start3A_554 = arith.constant 0 : i32
      %dma_start3A_555 = tpu.memref_slice %arg4[%add3A_545, %dma_start3A_553, %dma_start3A_554] : memref<2048x128x128xf32, #tpu.memory_space<hbm>> -> memref<2x128x128xf32, #tpu.memory_space<hbm>>
      %dma_start3A_556 = tpu.memref_slice %arg8[%dma_start3A_547] : memref<3x!tpu.dma_semaphore, #tpu.memory_space<semaphore_mem>> -> memref<1x!tpu.dma_semaphore, #tpu.memory_space<semaphore_mem>>
      %dma_start3A_557 = tpu.memref_squeeze %dma_start3A_556 : memref<1x!tpu.dma_semaphore, #tpu.memory_space<semaphore_mem>> -> memref<!tpu.dma_semaphore, #tpu.memory_space<semaphore_mem>>
      %dma_start3A_558 = arith.constant 0 : i32
      %dma_start3A_559 = arith.constant 0 : i32
      %dma_start3A_560 = tpu.memref_slice %arg4[%add3A_545, %dma_start3A_558, %dma_start3A_559] : memref<2048x128x128xf32, #tpu.memory_space<hbm>> -> memref<2x128x128xf32, #tpu.memory_space<hbm>>
      %dma_start3A_561 = arith.constant 0 : i32
      %dma_start3A_562 = arith.constant 0 : i32
      %dma_start3A_563 = arith.constant 0 : i32
      %dma_start3A_564 = tpu.memref_slice %arg6[%dma_start3A_546, %dma_start3A_561, %dma_start3A_562, %dma_start3A_563] : memref<3x2x128x128xf32, #tpu.memory_space<vmem>> -> memref<1x2x128x128xf32, #tpu.memory_space<vmem>>
      %dma_start3A_565 = tpu.memref_squeeze %dma_start3A_564 : memref<1x2x128x128xf32, #tpu.memory_space<vmem>> -> memref<2x128x128xf32, #tpu.memory_space<vmem>>
      tpu.enqueue_dma source(%dma_start3A_565 : memref<2x128x128xf32, #tpu.memory_space<vmem>>) target(%dma_start3A_560 : memref<2x128x128xf32, #tpu.memory_space<hbm>>) target_semaphore(%dma_start3A_557 : memref<!tpu.dma_semaphore, #tpu.memory_space<semaphore_mem>>)
    }
    %scan3A_40 = arith.constant 10 : i32
    %add3A_41 = arith.constant 56 : i32
    %add3A_42 = arith.addi %mul3A_2, %add3A_41 : i32
    %dma_wait3A = arith.constant 1 : i32
    %dma_wait3A_43 = arith.constant 1 : i32
    %dma_wait3A_44 = arith.constant 0 : i32
    %dma_wait3A_45 = arith.constant 0 : i32
    %dma_wait3A_46 = arith.constant 0 : i32
    %dma_wait3A_47 = tpu.memref_slice %arg6[%dma_wait3A, %dma_wait3A_44, %dma_wait3A_45, %dma_wait3A_46] : memref<3x2x128x128xf32, #tpu.memory_space<vmem>> -> memref<1x2x128x128xf32, #tpu.memory_space<vmem>>
    %dma_wait3A_48 = tpu.memref_squeeze %dma_wait3A_47 : memref<1x2x128x128xf32, #tpu.memory_space<vmem>> -> memref<2x128x128xf32, #tpu.memory_space<vmem>>
    %dma_wait3A_49 = arith.constant 0 : i32
    %dma_wait3A_50 = arith.constant 0 : i32
    %dma_wait3A_51 = tpu.memref_slice %arg4[%add3A_42, %dma_wait3A_49, %dma_wait3A_50] : memref<2048x128x128xf32, #tpu.memory_space<hbm>> -> memref<2x128x128xf32, #tpu.memory_space<hbm>>
    %dma_wait3A_52 = tpu.memref_slice %arg8[%dma_wait3A_43] : memref<3x!tpu.dma_semaphore, #tpu.memory_space<semaphore_mem>> -> memref<1x!tpu.dma_semaphore, #tpu.memory_space<semaphore_mem>>
    %dma_wait3A_53 = tpu.memref_squeeze %dma_wait3A_52 : memref<1x!tpu.dma_semaphore, #tpu.memory_space<semaphore_mem>> -> memref<!tpu.dma_semaphore, #tpu.memory_space<semaphore_mem>>
    %dma_wait3A_54 = arith.constant 0 : i32
    %dma_wait3A_55 = arith.constant 0 : i32
    %dma_wait3A_56 = tpu.memref_slice %arg4[%add3A_42, %dma_wait3A_54, %dma_wait3A_55] : memref<2048x128x128xf32, #tpu.memory_space<hbm>> -> memref<2x128x128xf32, #tpu.memory_space<hbm>>
    %dma_wait3A_57 = arith.constant 0 : i32
    %dma_wait3A_58 = arith.constant 0 : i32
    %dma_wait3A_59 = arith.constant 0 : i32
    %dma_wait3A_60 = tpu.memref_slice %arg6[%dma_wait3A, %dma_wait3A_57, %dma_wait3A_58, %dma_wait3A_59] : memref<3x2x128x128xf32, #tpu.memory_space<vmem>> -> memref<1x2x128x128xf32, #tpu.memory_space<vmem>>
    %dma_wait3A_61 = tpu.memref_squeeze %dma_wait3A_60 : memref<1x2x128x128xf32, #tpu.memory_space<vmem>> -> memref<2x128x128xf32, #tpu.memory_space<vmem>>
    tpu.wait_dma2 semaphore(%dma_wait3A_53 : memref<!tpu.dma_semaphore, #tpu.memory_space<semaphore_mem>>) src(%dma_wait3A_61 : memref<2x128x128xf32, #tpu.memory_space<vmem>>) dst(%dma_wait3A_56 : memref<2x128x128xf32, #tpu.memory_space<hbm>>)
    %dma_start3A_62 = arith.constant 31 : i32
    %dma_start3A_63 = arith.constant 0 : i32
    %dma_start3A_64 = arith.constant 1 : i32
    %dma_start3A_65 = arith.constant 0 : i32
    %dma_start3A_66 = arith.constant 1 : i32
    %dma_start3A_67 = arith.constant 0 : i32
    %dma_start3A_68 = arith.constant 0 : i32
    %dma_start3A_69 = tpu.memref_slice %arg6[%dma_start3A_64, %dma_start3A_65, %dma_start3A_67, %dma_start3A_68] : memref<3x2x128x128xf32, #tpu.memory_space<vmem>> -> memref<1x1x128x128xf32, #tpu.memory_space<vmem>>
    %dma_start3A_70 = tpu.memref_squeeze %dma_start3A_69 : memref<1x1x128x128xf32, #tpu.memory_space<vmem>> -> memref<128x128xf32, #tpu.memory_space<vmem>>
    %dma_start3A_71 = arith.constant 0 : i32
    %dma_start3A_72 = tpu.memref_slice %arg5[%dma_start3A_62, %dma_start3A_63, %dma_start3A_71] : memref<32x2x128xi32, #tpu.memory_space<vmem>> -> memref<1x1x128xi32, #tpu.memory_space<vmem>>
    %dma_start3A_73 = tpu.memref_squeeze %dma_start3A_72 : memref<1x1x128xi32, #tpu.memory_space<vmem>> -> memref<128xi32, #tpu.memory_space<vmem>>
    %dma_start3A_74 = arith.constant 0 : i32
    %dma_start3A_75 = arith.constant 0 : i32
    %dma_start3A_76 = tpu.memref_slice %arg2[%dma_start3A_74, %dma_start3A_75] : memref<10000x128xf32, #tpu.memory_space<hbm>> -> memref<10000x128xf32, #tpu.memory_space<hbm>>
    %dma_start3A_77 = tpu.memref_slice %arg7[%dma_start3A_66] : memref<3x!tpu.dma_semaphore, #tpu.memory_space<semaphore_mem>> -> memref<1x!tpu.dma_semaphore, #tpu.memory_space<semaphore_mem>>
    %dma_start3A_78 = tpu.memref_squeeze %dma_start3A_77 : memref<1x!tpu.dma_semaphore, #tpu.memory_space<semaphore_mem>> -> memref<!tpu.dma_semaphore, #tpu.memory_space<semaphore_mem>>
    tpu.enqueue_indirect_dma source(%dma_start3A_76 : memref<10000x128xf32, #tpu.memory_space<hbm>>) target(%dma_start3A_70 : memref<128x128xf32, #tpu.memory_space<vmem>>) offsets(%dma_start3A_73 : memref<128xi32, #tpu.memory_space<vmem>>) semaphore(%dma_start3A_78 : memref<!tpu.dma_semaphore, #tpu.memory_space<semaphore_mem>>)
    %dma_start3A_79 = arith.constant 31 : i32
    %dma_start3A_80 = arith.constant 1 : i32
    %dma_start3A_81 = arith.constant 1 : i32
    %dma_start3A_82 = arith.constant 1 : i32
    %dma_start3A_83 = arith.constant 1 : i32
    %dma_start3A_84 = arith.constant 0 : i32
    %dma_start3A_85 = arith.constant 0 : i32
    %dma_start3A_86 = tpu.memref_slice %arg6[%dma_start3A_81, %dma_start3A_82, %dma_start3A_84, %dma_start3A_85] : memref<3x2x128x128xf32, #tpu.memory_space<vmem>> -> memref<1x1x128x128xf32, #tpu.memory_space<vmem>>
    %dma_start3A_87 = tpu.memref_squeeze %dma_start3A_86 : memref<1x1x128x128xf32, #tpu.memory_space<vmem>> -> memref<128x128xf32, #tpu.memory_space<vmem>>
    %dma_start3A_88 = arith.constant 0 : i32
    %dma_start3A_89 = tpu.memref_slice %arg5[%dma_start3A_79, %dma_start3A_80, %dma_start3A_88] : memref<32x2x128xi32, #tpu.memory_space<vmem>> -> memref<1x1x128xi32, #tpu.memory_space<vmem>>
    %dma_start3A_90 = tpu.memref_squeeze %dma_start3A_89 : memref<1x1x128xi32, #tpu.memory_space<vmem>> -> memref<128xi32, #tpu.memory_space<vmem>>
    %dma_start3A_91 = arith.constant 0 : i32
    %dma_start3A_92 = arith.constant 0 : i32
    %dma_start3A_93 = tpu.memref_slice %arg2[%dma_start3A_91, %dma_start3A_92] : memref<10000x128xf32, #tpu.memory_space<hbm>> -> memref<10000x128xf32, #tpu.memory_space<hbm>>
    %dma_start3A_94 = tpu.memref_slice %arg7[%dma_start3A_83] : memref<3x!tpu.dma_semaphore, #tpu.memory_space<semaphore_mem>> -> memref<1x!tpu.dma_semaphore, #tpu.memory_space<semaphore_mem>>
    %dma_start3A_95 = tpu.memref_squeeze %dma_start3A_94 : memref<1x!tpu.dma_semaphore, #tpu.memory_space<semaphore_mem>> -> memref<!tpu.dma_semaphore, #tpu.memory_space<semaphore_mem>>
    tpu.enqueue_indirect_dma source(%dma_start3A_93 : memref<10000x128xf32, #tpu.memory_space<hbm>>) target(%dma_start3A_87 : memref<128x128xf32, #tpu.memory_space<vmem>>) offsets(%dma_start3A_90 : memref<128xi32, #tpu.memory_space<vmem>>) semaphore(%dma_start3A_95 : memref<!tpu.dma_semaphore, #tpu.memory_space<semaphore_mem>>)
    %dma_wait3A_96 = arith.constant 30 : i32
    %dma_wait3A_97 = arith.constant 0 : i32
    %dma_wait3A_98 = arith.constant 0 : i32
    %dma_wait3A_99 = arith.constant 0 : i32
    %dma_wait3A_100 = arith.constant 0 : i32
    %dma_wait3A_101 = arith.constant 0 : i32
    %dma_wait3A_102 = arith.constant 0 : i32
    %dma_wait3A_103 = tpu.memref_slice %arg6[%dma_wait3A_98, %dma_wait3A_99, %dma_wait3A_101, %dma_wait3A_102] : memref<3x2x128x128xf32, #tpu.memory_space<vmem>> -> memref<1x1x128x128xf32, #tpu.memory_space<vmem>>
    %dma_wait3A_104 = tpu.memref_squeeze %dma_wait3A_103 : memref<1x1x128x128xf32, #tpu.memory_space<vmem>> -> memref<128x128xf32, #tpu.memory_space<vmem>>
    %dma_wait3A_105 = arith.constant 0 : i32
    %dma_wait3A_106 = tpu.memref_slice %arg5[%dma_wait3A_96, %dma_wait3A_97, %dma_wait3A_105] : memref<32x2x128xi32, #tpu.memory_space<vmem>> -> memref<1x1x128xi32, #tpu.memory_space<vmem>>
    %dma_wait3A_107 = tpu.memref_squeeze %dma_wait3A_106 : memref<1x1x128xi32, #tpu.memory_space<vmem>> -> memref<128xi32, #tpu.memory_space<vmem>>
    %dma_wait3A_108 = arith.constant 0 : i32
    %dma_wait3A_109 = arith.constant 0 : i32
    %dma_wait3A_110 = tpu.memref_slice %arg2[%dma_wait3A_108, %dma_wait3A_109] : memref<10000x128xf32, #tpu.memory_space<hbm>> -> memref<10000x128xf32, #tpu.memory_space<hbm>>
    %dma_wait3A_111 = tpu.memref_slice %arg7[%dma_wait3A_100] : memref<3x!tpu.dma_semaphore, #tpu.memory_space<semaphore_mem>> -> memref<1x!tpu.dma_semaphore, #tpu.memory_space<semaphore_mem>>
    %dma_wait3A_112 = tpu.memref_squeeze %dma_wait3A_111 : memref<1x!tpu.dma_semaphore, #tpu.memory_space<semaphore_mem>> -> memref<!tpu.dma_semaphore, #tpu.memory_space<semaphore_mem>>
    tpu.wait_indirect_dma semaphore(%dma_wait3A_112 : memref<!tpu.dma_semaphore, #tpu.memory_space<semaphore_mem>>) src(%dma_wait3A_110 : memref<10000x128xf32, #tpu.memory_space<hbm>>) dst(%dma_wait3A_104 : memref<128x128xf32, #tpu.memory_space<vmem>>)
    %dma_wait3A_113 = arith.constant 30 : i32
    %dma_wait3A_114 = arith.constant 1 : i32
    %dma_wait3A_115 = arith.constant 0 : i32
    %dma_wait3A_116 = arith.constant 1 : i32
    %dma_wait3A_117 = arith.constant 0 : i32
    %dma_wait3A_118 = arith.constant 0 : i32
    %dma_wait3A_119 = arith.constant 0 : i32
    %dma_wait3A_120 = tpu.memref_slice %arg6[%dma_wait3A_115, %dma_wait3A_116, %dma_wait3A_118, %dma_wait3A_119] : memref<3x2x128x128xf32, #tpu.memory_space<vmem>> -> memref<1x1x128x128xf32, #tpu.memory_space<vmem>>
    %dma_wait3A_121 = tpu.memref_squeeze %dma_wait3A_120 : memref<1x1x128x128xf32, #tpu.memory_space<vmem>> -> memref<128x128xf32, #tpu.memory_space<vmem>>
    %dma_wait3A_122 = arith.constant 0 : i32
    %dma_wait3A_123 = tpu.memref_slice %arg5[%dma_wait3A_113, %dma_wait3A_114, %dma_wait3A_122] : memref<32x2x128xi32, #tpu.memory_space<vmem>> -> memref<1x1x128xi32, #tpu.memory_space<vmem>>
    %dma_wait3A_124 = tpu.memref_squeeze %dma_wait3A_123 : memref<1x1x128xi32, #tpu.memory_space<vmem>> -> memref<128xi32, #tpu.memory_space<vmem>>
    %dma_wait3A_125 = arith.constant 0 : i32
    %dma_wait3A_126 = arith.constant 0 : i32
    %dma_wait3A_127 = tpu.memref_slice %arg2[%dma_wait3A_125, %dma_wait3A_126] : memref<10000x128xf32, #tpu.memory_space<hbm>> -> memref<10000x128xf32, #tpu.memory_space<hbm>>
    %dma_wait3A_128 = tpu.memref_slice %arg7[%dma_wait3A_117] : memref<3x!tpu.dma_semaphore, #tpu.memory_space<semaphore_mem>> -> memref<1x!tpu.dma_semaphore, #tpu.memory_space<semaphore_mem>>
    %dma_wait3A_129 = tpu.memref_squeeze %dma_wait3A_128 : memref<1x!tpu.dma_semaphore, #tpu.memory_space<semaphore_mem>> -> memref<!tpu.dma_semaphore, #tpu.memory_space<semaphore_mem>>
    tpu.wait_indirect_dma semaphore(%dma_wait3A_129 : memref<!tpu.dma_semaphore, #tpu.memory_space<semaphore_mem>>) src(%dma_wait3A_127 : memref<10000x128xf32, #tpu.memory_space<hbm>>) dst(%dma_wait3A_121 : memref<128x128xf32, #tpu.memory_space<vmem>>)
    %add3A_130 = arith.constant 60 : i32
    %add3A_131 = arith.addi %mul3A_2, %add3A_130 : i32
    %dma_start3A_132 = arith.constant 0 : i32
    %dma_start3A_133 = arith.constant 0 : i32
    %dma_start3A_134 = arith.constant 0 : i32
    %dma_start3A_135 = arith.constant 0 : i32
    %dma_start3A_136 = arith.constant 0 : i32
    %dma_start3A_137 = tpu.memref_slice %arg6[%dma_start3A_132, %dma_start3A_134, %dma_start3A_135, %dma_start3A_136] : memref<3x2x128x128xf32, #tpu.memory_space<vmem>> -> memref<1x2x128x128xf32, #tpu.memory_space<vmem>>
    %dma_start3A_138 = tpu.memref_squeeze %dma_start3A_137 : memref<1x2x128x128xf32, #tpu.memory_space<vmem>> -> memref<2x128x128xf32, #tpu.memory_space<vmem>>
    %dma_start3A_139 = arith.constant 0 : i32
    %dma_start3A_140 = arith.constant 0 : i32
    %dma_start3A_141 = tpu.memref_slice %arg4[%add3A_131, %dma_start3A_139, %dma_start3A_140] : memref<2048x128x128xf32, #tpu.memory_space<hbm>> -> memref<2x128x128xf32, #tpu.memory_space<hbm>>
    %dma_start3A_142 = tpu.memref_slice %arg8[%dma_start3A_133] : memref<3x!tpu.dma_semaphore, #tpu.memory_space<semaphore_mem>> -> memref<1x!tpu.dma_semaphore, #tpu.memory_space<semaphore_mem>>
    %dma_start3A_143 = tpu.memref_squeeze %dma_start3A_142 : memref<1x!tpu.dma_semaphore, #tpu.memory_space<semaphore_mem>> -> memref<!tpu.dma_semaphore, #tpu.memory_space<semaphore_mem>>
    %dma_start3A_144 = arith.constant 0 : i32
    %dma_start3A_145 = arith.constant 0 : i32
    %dma_start3A_146 = tpu.memref_slice %arg4[%add3A_131, %dma_start3A_144, %dma_start3A_145] : memref<2048x128x128xf32, #tpu.memory_space<hbm>> -> memref<2x128x128xf32, #tpu.memory_space<hbm>>
    %dma_start3A_147 = arith.constant 0 : i32
    %dma_start3A_148 = arith.constant 0 : i32
    %dma_start3A_149 = arith.constant 0 : i32
    %dma_start3A_150 = tpu.memref_slice %arg6[%dma_start3A_132, %dma_start3A_147, %dma_start3A_148, %dma_start3A_149] : memref<3x2x128x128xf32, #tpu.memory_space<vmem>> -> memref<1x2x128x128xf32, #tpu.memory_space<vmem>>
    %dma_start3A_151 = tpu.memref_squeeze %dma_start3A_150 : memref<1x2x128x128xf32, #tpu.memory_space<vmem>> -> memref<2x128x128xf32, #tpu.memory_space<vmem>>
    tpu.enqueue_dma source(%dma_start3A_151 : memref<2x128x128xf32, #tpu.memory_space<vmem>>) target(%dma_start3A_146 : memref<2x128x128xf32, #tpu.memory_space<hbm>>) target_semaphore(%dma_start3A_143 : memref<!tpu.dma_semaphore, #tpu.memory_space<semaphore_mem>>)
    %add3A_152 = arith.constant 58 : i32
    %add3A_153 = arith.addi %mul3A_2, %add3A_152 : i32
    %dma_wait3A_154 = arith.constant 2 : i32
    %dma_wait3A_155 = arith.constant 2 : i32
    %dma_wait3A_156 = arith.constant 0 : i32
    %dma_wait3A_157 = arith.constant 0 : i32
    %dma_wait3A_158 = arith.constant 0 : i32
    %dma_wait3A_159 = tpu.memref_slice %arg6[%dma_wait3A_154, %dma_wait3A_156, %dma_wait3A_157, %dma_wait3A_158] : memref<3x2x128x128xf32, #tpu.memory_space<vmem>> -> memref<1x2x128x128xf32, #tpu.memory_space<vmem>>
    %dma_wait3A_160 = tpu.memref_squeeze %dma_wait3A_159 : memref<1x2x128x128xf32, #tpu.memory_space<vmem>> -> memref<2x128x128xf32, #tpu.memory_space<vmem>>
    %dma_wait3A_161 = arith.constant 0 : i32
    %dma_wait3A_162 = arith.constant 0 : i32
    %dma_wait3A_163 = tpu.memref_slice %arg4[%add3A_153, %dma_wait3A_161, %dma_wait3A_162] : memref<2048x128x128xf32, #tpu.memory_space<hbm>> -> memref<2x128x128xf32, #tpu.memory_space<hbm>>
    %dma_wait3A_164 = tpu.memref_slice %arg8[%dma_wait3A_155] : memref<3x!tpu.dma_semaphore, #tpu.memory_space<semaphore_mem>> -> memref<1x!tpu.dma_semaphore, #tpu.memory_space<semaphore_mem>>
    %dma_wait3A_165 = tpu.memref_squeeze %dma_wait3A_164 : memref<1x!tpu.dma_semaphore, #tpu.memory_space<semaphore_mem>> -> memref<!tpu.dma_semaphore, #tpu.memory_space<semaphore_mem>>
    %dma_wait3A_166 = arith.constant 0 : i32
    %dma_wait3A_167 = arith.constant 0 : i32
    %dma_wait3A_168 = tpu.memref_slice %arg4[%add3A_153, %dma_wait3A_166, %dma_wait3A_167] : memref<2048x128x128xf32, #tpu.memory_space<hbm>> -> memref<2x128x128xf32, #tpu.memory_space<hbm>>
    %dma_wait3A_169 = arith.constant 0 : i32
    %dma_wait3A_170 = arith.constant 0 : i32
    %dma_wait3A_171 = arith.constant 0 : i32
    %dma_wait3A_172 = tpu.memref_slice %arg6[%dma_wait3A_154, %dma_wait3A_169, %dma_wait3A_170, %dma_wait3A_171] : memref<3x2x128x128xf32, #tpu.memory_space<vmem>> -> memref<1x2x128x128xf32, #tpu.memory_space<vmem>>
    %dma_wait3A_173 = tpu.memref_squeeze %dma_wait3A_172 : memref<1x2x128x128xf32, #tpu.memory_space<vmem>> -> memref<2x128x128xf32, #tpu.memory_space<vmem>>
    tpu.wait_dma2 semaphore(%dma_wait3A_165 : memref<!tpu.dma_semaphore, #tpu.memory_space<semaphore_mem>>) src(%dma_wait3A_173 : memref<2x128x128xf32, #tpu.memory_space<vmem>>) dst(%dma_wait3A_168 : memref<2x128x128xf32, #tpu.memory_space<hbm>>)
    %dma_wait3A_174 = arith.constant 31 : i32
    %dma_wait3A_175 = arith.constant 0 : i32
    %dma_wait3A_176 = arith.constant 1 : i32
    %dma_wait3A_177 = arith.constant 0 : i32
    %dma_wait3A_178 = arith.constant 1 : i32
    %dma_wait3A_179 = arith.constant 0 : i32
    %dma_wait3A_180 = arith.constant 0 : i32
    %dma_wait3A_181 = tpu.memref_slice %arg6[%dma_wait3A_176, %dma_wait3A_177, %dma_wait3A_179, %dma_wait3A_180] : memref<3x2x128x128xf32, #tpu.memory_space<vmem>> -> memref<1x1x128x128xf32, #tpu.memory_space<vmem>>
    %dma_wait3A_182 = tpu.memref_squeeze %dma_wait3A_181 : memref<1x1x128x128xf32, #tpu.memory_space<vmem>> -> memref<128x128xf32, #tpu.memory_space<vmem>>
    %dma_wait3A_183 = arith.constant 0 : i32
    %dma_wait3A_184 = tpu.memref_slice %arg5[%dma_wait3A_174, %dma_wait3A_175, %dma_wait3A_183] : memref<32x2x128xi32, #tpu.memory_space<vmem>> -> memref<1x1x128xi32, #tpu.memory_space<vmem>>
    %dma_wait3A_185 = tpu.memref_squeeze %dma_wait3A_184 : memref<1x1x128xi32, #tpu.memory_space<vmem>> -> memref<128xi32, #tpu.memory_space<vmem>>
    %dma_wait3A_186 = arith.constant 0 : i32
    %dma_wait3A_187 = arith.constant 0 : i32
    %dma_wait3A_188 = tpu.memref_slice %arg2[%dma_wait3A_186, %dma_wait3A_187] : memref<10000x128xf32, #tpu.memory_space<hbm>> -> memref<10000x128xf32, #tpu.memory_space<hbm>>
    %dma_wait3A_189 = tpu.memref_slice %arg7[%dma_wait3A_178] : memref<3x!tpu.dma_semaphore, #tpu.memory_space<semaphore_mem>> -> memref<1x!tpu.dma_semaphore, #tpu.memory_space<semaphore_mem>>
    %dma_wait3A_190 = tpu.memref_squeeze %dma_wait3A_189 : memref<1x!tpu.dma_semaphore, #tpu.memory_space<semaphore_mem>> -> memref<!tpu.dma_semaphore, #tpu.memory_space<semaphore_mem>>
    tpu.wait_indirect_dma semaphore(%dma_wait3A_190 : memref<!tpu.dma_semaphore, #tpu.memory_space<semaphore_mem>>) src(%dma_wait3A_188 : memref<10000x128xf32, #tpu.memory_space<hbm>>) dst(%dma_wait3A_182 : memref<128x128xf32, #tpu.memory_space<vmem>>)
    %dma_wait3A_191 = arith.constant 31 : i32
    %dma_wait3A_192 = arith.constant 1 : i32
    %dma_wait3A_193 = arith.constant 1 : i32
    %dma_wait3A_194 = arith.constant 1 : i32
    %dma_wait3A_195 = arith.constant 1 : i32
    %dma_wait3A_196 = arith.constant 0 : i32
    %dma_wait3A_197 = arith.constant 0 : i32
    %dma_wait3A_198 = tpu.memref_slice %arg6[%dma_wait3A_193, %dma_wait3A_194, %dma_wait3A_196, %dma_wait3A_197] : memref<3x2x128x128xf32, #tpu.memory_space<vmem>> -> memref<1x1x128x128xf32, #tpu.memory_space<vmem>>
    %dma_wait3A_199 = tpu.memref_squeeze %dma_wait3A_198 : memref<1x1x128x128xf32, #tpu.memory_space<vmem>> -> memref<128x128xf32, #tpu.memory_space<vmem>>
    %dma_wait3A_200 = arith.constant 0 : i32
    %dma_wait3A_201 = tpu.memref_slice %arg5[%dma_wait3A_191, %dma_wait3A_192, %dma_wait3A_200] : memref<32x2x128xi32, #tpu.memory_space<vmem>> -> memref<1x1x128xi32, #tpu.memory_space<vmem>>
    %dma_wait3A_202 = tpu.memref_squeeze %dma_wait3A_201 : memref<1x1x128xi32, #tpu.memory_space<vmem>> -> memref<128xi32, #tpu.memory_space<vmem>>
    %dma_wait3A_203 = arith.constant 0 : i32
    %dma_wait3A_204 = arith.constant 0 : i32
    %dma_wait3A_205 = tpu.memref_slice %arg2[%dma_wait3A_203, %dma_wait3A_204] : memref<10000x128xf32, #tpu.memory_space<hbm>> -> memref<10000x128xf32, #tpu.memory_space<hbm>>
    %dma_wait3A_206 = tpu.memref_slice %arg7[%dma_wait3A_195] : memref<3x!tpu.dma_semaphore, #tpu.memory_space<semaphore_mem>> -> memref<1x!tpu.dma_semaphore, #tpu.memory_space<semaphore_mem>>
    %dma_wait3A_207 = tpu.memref_squeeze %dma_wait3A_206 : memref<1x!tpu.dma_semaphore, #tpu.memory_space<semaphore_mem>> -> memref<!tpu.dma_semaphore, #tpu.memory_space<semaphore_mem>>
    tpu.wait_indirect_dma semaphore(%dma_wait3A_207 : memref<!tpu.dma_semaphore, #tpu.memory_space<semaphore_mem>>) src(%dma_wait3A_205 : memref<10000x128xf32, #tpu.memory_space<hbm>>) dst(%dma_wait3A_199 : memref<128x128xf32, #tpu.memory_space<vmem>>)
    %add3A_208 = arith.constant 62 : i32
    %add3A_209 = arith.addi %mul3A_2, %add3A_208 : i32
    %dma_start3A_210 = arith.constant 1 : i32
    %dma_start3A_211 = arith.constant 1 : i32
    %dma_start3A_212 = arith.constant 0 : i32
    %dma_start3A_213 = arith.constant 0 : i32
    %dma_start3A_214 = arith.constant 0 : i32
    %dma_start3A_215 = tpu.memref_slice %arg6[%dma_start3A_210, %dma_start3A_212, %dma_start3A_213, %dma_start3A_214] : memref<3x2x128x128xf32, #tpu.memory_space<vmem>> -> memref<1x2x128x128xf32, #tpu.memory_space<vmem>>
    %dma_start3A_216 = tpu.memref_squeeze %dma_start3A_215 : memref<1x2x128x128xf32, #tpu.memory_space<vmem>> -> memref<2x128x128xf32, #tpu.memory_space<vmem>>
    %dma_start3A_217 = arith.constant 0 : i32
    %dma_start3A_218 = arith.constant 0 : i32
    %dma_start3A_219 = tpu.memref_slice %arg4[%add3A_209, %dma_start3A_217, %dma_start3A_218] : memref<2048x128x128xf32, #tpu.memory_space<hbm>> -> memref<2x128x128xf32, #tpu.memory_space<hbm>>
    %dma_start3A_220 = tpu.memref_slice %arg8[%dma_start3A_211] : memref<3x!tpu.dma_semaphore, #tpu.memory_space<semaphore_mem>> -> memref<1x!tpu.dma_semaphore, #tpu.memory_space<semaphore_mem>>
    %dma_start3A_221 = tpu.memref_squeeze %dma_start3A_220 : memref<1x!tpu.dma_semaphore, #tpu.memory_space<semaphore_mem>> -> memref<!tpu.dma_semaphore, #tpu.memory_space<semaphore_mem>>
    %dma_start3A_222 = arith.constant 0 : i32
    %dma_start3A_223 = arith.constant 0 : i32
    %dma_start3A_224 = tpu.memref_slice %arg4[%add3A_209, %dma_start3A_222, %dma_start3A_223] : memref<2048x128x128xf32, #tpu.memory_space<hbm>> -> memref<2x128x128xf32, #tpu.memory_space<hbm>>
    %dma_start3A_225 = arith.constant 0 : i32
    %dma_start3A_226 = arith.constant 0 : i32
    %dma_start3A_227 = arith.constant 0 : i32
    %dma_start3A_228 = tpu.memref_slice %arg6[%dma_start3A_210, %dma_start3A_225, %dma_start3A_226, %dma_start3A_227] : memref<3x2x128x128xf32, #tpu.memory_space<vmem>> -> memref<1x2x128x128xf32, #tpu.memory_space<vmem>>
    %dma_start3A_229 = tpu.memref_squeeze %dma_start3A_228 : memref<1x2x128x128xf32, #tpu.memory_space<vmem>> -> memref<2x128x128xf32, #tpu.memory_space<vmem>>
    tpu.enqueue_dma source(%dma_start3A_229 : memref<2x128x128xf32, #tpu.memory_space<vmem>>) target(%dma_start3A_224 : memref<2x128x128xf32, #tpu.memory_space<hbm>>) target_semaphore(%dma_start3A_221 : memref<!tpu.dma_semaphore, #tpu.memory_space<semaphore_mem>>)
    %add3A_230 = arith.constant 60 : i32
    %add3A_231 = arith.addi %mul3A_2, %add3A_230 : i32
    %dma_wait3A_232 = arith.constant 0 : i32
    %dma_wait3A_233 = arith.constant 0 : i32
    %dma_wait3A_234 = arith.constant 0 : i32
    %dma_wait3A_235 = arith.constant 0 : i32
    %dma_wait3A_236 = arith.constant 0 : i32
    %dma_wait3A_237 = tpu.memref_slice %arg6[%dma_wait3A_232, %dma_wait3A_234, %dma_wait3A_235, %dma_wait3A_236] : memref<3x2x128x128xf32, #tpu.memory_space<vmem>> -> memref<1x2x128x128xf32, #tpu.memory_space<vmem>>
    %dma_wait3A_238 = tpu.memref_squeeze %dma_wait3A_237 : memref<1x2x128x128xf32, #tpu.memory_space<vmem>> -> memref<2x128x128xf32, #tpu.memory_space<vmem>>
    %dma_wait3A_239 = arith.constant 0 : i32
    %dma_wait3A_240 = arith.constant 0 : i32
    %dma_wait3A_241 = tpu.memref_slice %arg4[%add3A_231, %dma_wait3A_239, %dma_wait3A_240] : memref<2048x128x128xf32, #tpu.memory_space<hbm>> -> memref<2x128x128xf32, #tpu.memory_space<hbm>>
    %dma_wait3A_242 = tpu.memref_slice %arg8[%dma_wait3A_233] : memref<3x!tpu.dma_semaphore, #tpu.memory_space<semaphore_mem>> -> memref<1x!tpu.dma_semaphore, #tpu.memory_space<semaphore_mem>>
    %dma_wait3A_243 = tpu.memref_squeeze %dma_wait3A_242 : memref<1x!tpu.dma_semaphore, #tpu.memory_space<semaphore_mem>> -> memref<!tpu.dma_semaphore, #tpu.memory_space<semaphore_mem>>
    %dma_wait3A_244 = arith.constant 0 : i32
    %dma_wait3A_245 = arith.constant 0 : i32
    %dma_wait3A_246 = tpu.memref_slice %arg4[%add3A_231, %dma_wait3A_244, %dma_wait3A_245] : memref<2048x128x128xf32, #tpu.memory_space<hbm>> -> memref<2x128x128xf32, #tpu.memory_space<hbm>>
    %dma_wait3A_247 = arith.constant 0 : i32
    %dma_wait3A_248 = arith.constant 0 : i32
    %dma_wait3A_249 = arith.constant 0 : i32
    %dma_wait3A_250 = tpu.memref_slice %arg6[%dma_wait3A_232, %dma_wait3A_247, %dma_wait3A_248, %dma_wait3A_249] : memref<3x2x128x128xf32, #tpu.memory_space<vmem>> -> memref<1x2x128x128xf32, #tpu.memory_space<vmem>>
    %dma_wait3A_251 = tpu.memref_squeeze %dma_wait3A_250 : memref<1x2x128x128xf32, #tpu.memory_space<vmem>> -> memref<2x128x128xf32, #tpu.memory_space<vmem>>
    tpu.wait_dma2 semaphore(%dma_wait3A_243 : memref<!tpu.dma_semaphore, #tpu.memory_space<semaphore_mem>>) src(%dma_wait3A_251 : memref<2x128x128xf32, #tpu.memory_space<vmem>>) dst(%dma_wait3A_246 : memref<2x128x128xf32, #tpu.memory_space<hbm>>)
    %add3A_252 = arith.constant 62 : i32
    %add3A_253 = arith.addi %mul3A_2, %add3A_252 : i32
    %dma_wait3A_254 = arith.constant 1 : i32
    %dma_wait3A_255 = arith.constant 1 : i32
    %dma_wait3A_256 = arith.constant 0 : i32
    %dma_wait3A_257 = arith.constant 0 : i32
    %dma_wait3A_258 = arith.constant 0 : i32
    %dma_wait3A_259 = tpu.memref_slice %arg6[%dma_wait3A_254, %dma_wait3A_256, %dma_wait3A_257, %dma_wait3A_258] : memref<3x2x128x128xf32, #tpu.memory_space<vmem>> -> memref<1x2x128x128xf32, #tpu.memory_space<vmem>>
    %dma_wait3A_260 = tpu.memref_squeeze %dma_wait3A_259 : memref<1x2x128x128xf32, #tpu.memory_space<vmem>> -> memref<2x128x128xf32, #tpu.memory_space<vmem>>
    %dma_wait3A_261 = arith.constant 0 : i32
    %dma_wait3A_262 = arith.constant 0 : i32
    %dma_wait3A_263 = tpu.memref_slice %arg4[%add3A_253, %dma_wait3A_261, %dma_wait3A_262] : memref<2048x128x128xf32, #tpu.memory_space<hbm>> -> memref<2x128x128xf32, #tpu.memory_space<hbm>>
    %dma_wait3A_264 = tpu.memref_slice %arg8[%dma_wait3A_255] : memref<3x!tpu.dma_semaphore, #tpu.memory_space<semaphore_mem>> -> memref<1x!tpu.dma_semaphore, #tpu.memory_space<semaphore_mem>>
    %dma_wait3A_265 = tpu.memref_squeeze %dma_wait3A_264 : memref<1x!tpu.dma_semaphore, #tpu.memory_space<semaphore_mem>> -> memref<!tpu.dma_semaphore, #tpu.memory_space<semaphore_mem>>
    %dma_wait3A_266 = arith.constant 0 : i32
    %dma_wait3A_267 = arith.constant 0 : i32
    %dma_wait3A_268 = tpu.memref_slice %arg4[%add3A_253, %dma_wait3A_266, %dma_wait3A_267] : memref<2048x128x128xf32, #tpu.memory_space<hbm>> -> memref<2x128x128xf32, #tpu.memory_space<hbm>>
    %dma_wait3A_269 = arith.constant 0 : i32
    %dma_wait3A_270 = arith.constant 0 : i32
    %dma_wait3A_271 = arith.constant 0 : i32
    %dma_wait3A_272 = tpu.memref_slice %arg6[%dma_wait3A_254, %dma_wait3A_269, %dma_wait3A_270, %dma_wait3A_271] : memref<3x2x128x128xf32, #tpu.memory_space<vmem>> -> memref<1x2x128x128xf32, #tpu.memory_space<vmem>>
    %dma_wait3A_273 = tpu.memref_squeeze %dma_wait3A_272 : memref<1x2x128x128xf32, #tpu.memory_space<vmem>> -> memref<2x128x128xf32, #tpu.memory_space<vmem>>
    tpu.wait_dma2 semaphore(%dma_wait3A_265 : memref<!tpu.dma_semaphore, #tpu.memory_space<semaphore_mem>>) src(%dma_wait3A_273 : memref<2x128x128xf32, #tpu.memory_space<vmem>>) dst(%dma_wait3A_268 : memref<2x128x128xf32, #tpu.memory_space<hbm>>)
    return
  }
}

module attributes {stable_mosaic.version = 14 : i64} {
  func.func @_proj_body(%arg0: i32, %arg1: memref<400x6000xf32, #tpu.memory_space<vmem>>, %arg2: memref<400x4000xf32, #tpu.memory_space<vmem>>, %arg3: memref<6000x128xbf16, #tpu.memory_space<vmem>>, %arg4: memref<4000x128xbf16, #tpu.memory_space<vmem>>, %arg5: memref<1x128xf32, #tpu.memory_space<vmem>>, %arg6: memref<400x128xf32, #tpu.memory_space<vmem>>) attributes {dimension_semantics = [#tpu.dimension_semantics<arbitrary>], iteration_bounds = array<i64: 25>, scalar_prefetch = 0 : i64, scratch_operands = 0 : i64, tpu.core_type = #tpu.core_type<tc>, window_params = [{transform_indices = @transform_0, window_bounds = array<i64: 400, 6000>}, {transform_indices = @transform_1, window_bounds = array<i64: 400, 4000>}, {pipeline_mode = #tpu.pipeline_mode<synchronous>, transform_indices = @transform_2, window_bounds = array<i64: 6000, 128>}, {pipeline_mode = #tpu.pipeline_mode<synchronous>, transform_indices = @transform_3, window_bounds = array<i64: 4000, 128>}, {pipeline_mode = #tpu.pipeline_mode<synchronous>, transform_indices = @transform_4, window_bounds = array<i64: 1, 128>}, {transform_indices = @transform_5, window_bounds = array<i64: 400, 128>}]} {
    %lt3A = arith.constant 15 : i32
    %lt3A_0 = arith.cmpi slt, %arg0, %lt3A : i32
    %convert_element_type3A = arith.extui %lt3A_0 : i1 to i32
    %cond3A = arith.constant 0 : i32
    %cond3A_1 = arith.cmpi ne, %convert_element_type3A, %cond3A : i32
    scf.if %cond3A_1 {
      %get3A = arith.constant 0 : index
      %get3A_6 = arith.constant 0 : index
      %get3A_7 = vector.load %arg1[%get3A, %get3A_6] : memref<400x6000xf32, #tpu.memory_space<vmem>>, vector<400x6000xf32>
      %convert_element_type3A_8 = arith.truncf %get3A_7 : vector<400x6000xf32> to vector<400x6000xbf16>
      %get3A_9 = arith.constant 0 : index
      %get3A_10 = arith.constant 0 : index
      %get3A_11 = vector.load %arg3[%get3A_9, %get3A_10] : memref<6000x128xbf16, #tpu.memory_space<vmem>>, vector<6000x128xbf16>
      %dot_general3A = arith.constant dense<0.000000e+00> : vector<400x128xf32>
      %dot_general3A_12 = tpu.matmul %convert_element_type3A_8, %get3A_11, %dot_general3A {dimension_numbers = #tpu.dot_dimension_numbers<[1], [0], [0], [1], [0, 0, 1, 1], [], []>, transpose_lhs_hint = false} : vector<400x6000xbf16>, vector<6000x128xbf16>, vector<400x128xf32> -> vector<400x128xf32>
      %get3A_13 = arith.constant 0 : index
      %get3A_14 = arith.constant 0 : index
      %get3A_15 = vector.load %arg5[%get3A_13, %get3A_14] : memref<1x128xf32, #tpu.memory_space<vmem>>, vector<1x128xf32>
      %add3A = vector.broadcast %get3A_15 : vector<1x128xf32> to vector<400x128xf32>
      %add3A_16 = arith.addf %dot_general3A_12, %add3A : vector<400x128xf32>
      %max3A = arith.constant 0.000000e+00 : f32
      %max3A_17 = vector.broadcast %max3A : f32 to vector<400x128xf32>
      %max3A_18 = arith.maximumf %add3A_16, %max3A_17 : vector<400x128xf32>
      %swap3A = arith.constant 0 : index
      %swap3A_19 = arith.constant 0 : index
      %swap3A_20 = vector.load %arg6[%swap3A, %swap3A_19] : memref<400x128xf32, #tpu.memory_space<vmem>>, vector<400x128xf32>
      tpu.vector_store %arg6[%swap3A, %swap3A_19], %max3A_18 {strides = array<i32>} : memref<400x128xf32, #tpu.memory_space<vmem>>, vector<400x128xf32>,
    } else {
    }
    %ge3A = arith.constant 15 : i32
    %ge3A_2 = arith.cmpi sge, %arg0, %ge3A : i32
    %convert_element_type3A_3 = arith.extui %ge3A_2 : i1 to i32
    %cond3A_4 = arith.constant 0 : i32
    %cond3A_5 = arith.cmpi ne, %convert_element_type3A_3, %cond3A_4 : i32
    scf.if %cond3A_5 {
      %get3A = arith.constant 0 : index
      %get3A_6 = arith.constant 0 : index
      %get3A_7 = vector.load %arg2[%get3A, %get3A_6] : memref<400x4000xf32, #tpu.memory_space<vmem>>, vector<400x4000xf32>
      %convert_element_type3A_8 = arith.truncf %get3A_7 : vector<400x4000xf32> to vector<400x4000xbf16>
      %get3A_9 = arith.constant 0 : index
      %get3A_10 = arith.constant 0 : index
      %get3A_11 = vector.load %arg4[%get3A_9, %get3A_10] : memref<4000x128xbf16, #tpu.memory_space<vmem>>, vector<4000x128xbf16>
      %dot_general3A = arith.constant dense<0.000000e+00> : vector<400x128xf32>
      %dot_general3A_12 = tpu.matmul %convert_element_type3A_8, %get3A_11, %dot_general3A {dimension_numbers = #tpu.dot_dimension_numbers<[1], [0], [0], [1], [0, 0, 1, 1], [], []>, transpose_lhs_hint = false} : vector<400x4000xbf16>, vector<4000x128xbf16>, vector<400x128xf32> -> vector<400x128xf32>
      %get3A_13 = arith.constant 0 : index
      %get3A_14 = arith.constant 0 : index
      %get3A_15 = vector.load %arg5[%get3A_13, %get3A_14] : memref<1x128xf32, #tpu.memory_space<vmem>>, vector<1x128xf32>
      %add3A = vector.broadcast %get3A_15 : vector<1x128xf32> to vector<400x128xf32>
      %add3A_16 = arith.addf %dot_general3A_12, %add3A : vector<400x128xf32>
      %max3A = arith.constant 0.000000e+00 : f32
      %max3A_17 = vector.broadcast %max3A : f32 to vector<400x128xf32>
      %max3A_18 = arith.maximumf %add3A_16, %max3A_17 : vector<400x128xf32>
      %swap3A = arith.constant 0 : index
      %swap3A_19 = arith.constant 0 : index
      %swap3A_20 = vector.load %arg6[%swap3A, %swap3A_19] : memref<400x128xf32, #tpu.memory_space<vmem>>, vector<400x128xf32>
      tpu.vector_store %arg6[%swap3A, %swap3A_19], %max3A_18 {strides = array<i32>} : memref<400x128xf32, #tpu.memory_space<vmem>>, vector<400x128xf32>,
    } else {
    }
    return
  }
  func.func @transform_0(%arg0: i32) -> (i32, i32) {
    %min3A = arith.constant 14 : i32
    %min3A_0 = arith.minsi %arg0, %min3A : i32
    %c0_i32 = arith.constant 0 : i32
    %c0_i32_1 = arith.constant 0 : i32
    return %min3A_0, %c0_i32 : i32, i32
  }
  func.func @transform_1(%arg0: i32) -> (i32, i32) {
    %sub3A = arith.constant 15 : i32
    %sub3A_0 = arith.subi %arg0, %sub3A : i32
    %jit3A = arith.constant 0 : i32
    %jit3A_1 = arith.constant 9 : i32
    %max3A = arith.maxsi %jit3A, %sub3A_0 : i32
    %min3A = arith.minsi %jit3A_1, %max3A : i32
    %c0_i32 = arith.constant 0 : i32
    %c0_i32_2 = arith.constant 0 : i32
    return %min3A, %c0_i32 : i32, i32
  }
  func.func @transform_2(%arg0: i32) -> (i32, i32) {
    %c0_i32 = arith.constant 0 : i32
    %c0_i32_0 = arith.constant 0 : i32
    %c0_i32_1 = arith.constant 0 : i32
    return %c0_i32, %c0_i32_0 : i32, i32
  }
  func.func @transform_3(%arg0: i32) -> (i32, i32) {
    %c0_i32 = arith.constant 0 : i32
    %c0_i32_0 = arith.constant 0 : i32
    %c0_i32_1 = arith.constant 0 : i32
    return %c0_i32, %c0_i32_0 : i32, i32
  }
  func.func @transform_4(%arg0: i32) -> (i32, i32) {
    %c0_i32 = arith.constant 0 : i32
    %c0_i32_0 = arith.constant 0 : i32
    %c0_i32_1 = arith.constant 0 : i32
    return %c0_i32, %c0_i32_0 : i32, i32
  }
  func.func @transform_5(%arg0: i32) -> (i32, i32) {
    %c0_i32 = arith.constant 0 : i32
    %c0_i32_0 = arith.constant 0 : i32
    return %arg0, %c0_i32 : i32, i32
  }
}

</mosaic_0001>

<sc_bundles>
// kernel: kernel.4.cloned.1.call-start
scs
__scs_entry_jumppad:
0x0: {  	(pc) =	sbr.rel $0x88, $3  }
0x1: {  	(tag) =	ssettag $0x0;
	lr =	simm.s32 $0x1  }
0x2: {  	[smem:$0x3F9C] =	sst lr;
	_ =	strace $0xD0000000  }
0x3: {  	_ = 	snop  }
0x4: {  	_ = 	snop  }
0x5: {  	_ = 	snop  }
0x6: {  	_ = 	snop  }
0x7: {  	_ = 	snop  }
__scs_overlays_trampoline_lowered:
0x8: {  	[smem:$0x3FAB] =	sst s0  }
0x9: {  	[smem:$0x3FAC] =	sst s1  }
0xa: {  	[smem:$0x3FAD] =	sst s2  }
0xb: {  	[smem:$0x3FAE] =	sst s3  }
0xc: {  	[smem:$0x3FAF] =	sst s4  }
0xd: {  	[smem:$0x3FB0] =	sst s5  }
0xe: {  	[smem:$0x3FB1] =	sst s6  }
0xf: {  	[smem:$0x3FB2] =	sst s7  }
0x10: {  	[smem:$0x3FB3] =	sst s8  }
0x11: {  	[smem:$0x3FB4] =	sst s9;
	s0 =	simm.s32 @!p0 $0x0  }
0x12: {  	s1 =	sld [smem:$0x3F9A];
	s0 =	simm.s32 @p0 $0x1  }
0x13: {  	[smem:$0x3FB5] =	sst s0;
	s0 =	simm.s32 @!p1 $0x0  }
0x14: {  	s2 =	sld [smem:$0x3F99];
	s0 =	simm.s32 @p1 $0x1  }
0x15: {  	[smem:$0x3FB6] =	sst s0;
	s0 =	simm.s32 @!p2 $0x0  }
0x16: {  	s3 =	sld [smem:$0x3FDB];
	s0 =	simm.s32 @p2 $0x1  }
0x17: {  	s4 =	simm.s32 $0x1BF5;
	[smem:$0x3FB8] =	sst s0  }
0x18: {  	s0 =	sld [smem:$0x3F9B];
	_ =	swait.ge [sflag:s4], $0x0  }
0x19: {  	s7 =	sld [smem:$0x3F9C]  }
0x1a: {  	s8 =	sadd.s32 $0xFFFFE003, lr  }
0x1b: {  	s9 =	sadd.s32 $0xFFFFFEF7, lr;
	s5 =	simm.s32 $0xFFFFFFFF;
	p2 =	slt.u32 s8, $0xFFFFF086  }
0x1c: {  	p1 =	slt.u32 s9, $0xF7A;
	s5 =	simm.s32 @!p2 $0x0  }
0x1d: {  	s5 =	simm.s32 @p1 $0x1;
	p0 =	seq.s32 s7, s2  }
0x1e: {  	s7 =	smul.u32 @!p0 $0xF7A, s2;
	p2 =	seq.s32 @!p0 s5, $0x0  }
0x1f: {  	s9 =	smul.u32 $0xF7A, s1;
	s8 =	simm.s32 @!p0 $0x1BF5;
	p2 =	por !p2, p0  }
0x20: {  	[sflag:s8] =	ssyncset.s32 @!p0 $0xFFFFF086;
	s6 =	sadd.s32 @!p0 s3, s7;
	s7 =	simm.s32 @!p0 $0x108  }
0x21: {  	s3 =	sadd.s32 s3, s9;
	s6 =	sadd.s32 @!p0 $0x88, s6;
	s7 =	simm.s32 @p2 $0x1082  }
0x22: {  	[simem:s7], [sflag:s8] =	dma.local @!p0 [hbm:s6], $0xF7A  }
0x23: {  	s9 =	sor.u32 $0xD0000000, s2;
	s6 =	simm.s32 $0x108;
	_ =	swait.ge @!p0 [sflag:s8], $0x0  }
0x24: {  	s3 =	sadd.s32 $0x88, s3;
	s6 =	simm.s32 @!p1 $0x1082;
	[sflag:s4] =	ssyncset.s32 $0xFFFFF086  }
0x25: {  	[simem:s6], [sflag:s4] =	dma.local [hbm:s3], $0xF7A  }
0x26: {  	[smem:$0x3F9C] =	sst s1;
	(tag) =	ssettag s2;
	_ =	strace s9  }
0x27: {  	s1 =	sld [smem:$0x3FAC]  }
0x28: {  	s2 =	sld [smem:$0x3FAD]  }
0x29: {  	s4 =	sld [smem:$0x3FAF]  }
0x2a: {  	p0 =	seq.s32 s5, $0x0;
	s5 =	sld [smem:$0x3FB0]  }
0x2b: {  	s6 =	sld [smem:$0x3FB1]  }
0x2c: {  	s7 =	sld [smem:$0x3FB2]  }
0x2d: {  	s3 =	simm.s32 $0x108;
	s8 =	sld [smem:$0x3FB3]  }
0x2e: {  	s3 =	simm.s32 @!p0 $0x1082;
	s9 =	sld [smem:$0x3FB4]  }
0x2f: {  	lr =	sadd.s32 s0, s3;
	s0 =	sld [smem:$0x3FAB]  }
0x30: {  	s3 =	sld [smem:$0x3FAE]  }
0x31: {  	[smem:$0x3FB7] =	sst s10  }
0x32: {  	s10 =	sld [smem:$0x3FB5];
	_ =	sdelay $0x3  }
0x33: {  	p0 =	seq.s32 s10, $0x1;
	s10 =	sld [smem:$0x3FB7];
	_ =	sdelay $0x3  }
0x34: {  	[smem:$0x3FB7] =	sst s10  }
0x35: {  	s10 =	sld [smem:$0x3FB6];
	_ =	sdelay $0x3  }
0x36: {  	p1 =	seq.s32 s10, $0x1;
	s10 =	sld [smem:$0x3FB7];
	_ =	sdelay $0x3  }
0x37: {  	[smem:$0x3FB7] =	sst s10  }
0x38: {  	s10 =	sld [smem:$0x3FB8]  }
0x39: {  	_ = 	snop;
	(pc) =	sbr.ind lr, $3  }
0x3a: {  	_ = 	snop  }
0x3b: {  	_ = 	snop  }
0x3c: {  	p2 =	seq.s32 s10, $0x1;
	s10 =	sld [smem:$0x3FB7]  }
0x3d: {  	_ =	shalt  }
0x3e: {  	_ =	shalt  }
0x3f: {  	_ =	shalt  }
0x40: {  	_ =	shalt  }
0x41: {  	_ =	shalt  }
0x42: {  	_ =	shalt  }
0x43: {  	_ =	shalt  }
0x44: {  	_ =	shalt  }
0x45: {  	_ =	shalt  }
0x46: {  	_ =	shalt  }
0x47: {  	_ =	shalt  }
0x48: {  	_ =	shalt  }
0x49: {  	_ =	shalt  }
0x4a: {  	_ =	shalt  }
0x4b: {  	_ =	shalt  }
0x4c: {  	_ =	shalt  }
0x4d: {  	_ =	shalt  }
0x4e: {  	_ =	shalt  }
0x4f: {  	_ =	shalt  }
0x50: {  	_ =	shalt  }
0x51: {  	_ =	shalt  }
0x52: {  	_ =	shalt  }
0x53: {  	_ =	shalt  }
0x54: {  	_ =	shalt  }
0x55: {  	_ =	shalt  }
0x56: {  	_ =	shalt  }
0x57: {  	_ =	shalt  }
0x58: {  	_ =	shalt  }
0x59: {  	_ =	shalt  }
0x5a: {  	_ =	shalt  }
0x5b: {  	_ =	shalt  }
0x5c: {  	_ =	shalt  }
0x5d: {  	_ =	shalt  }
0x5e: {  	_ =	shalt  }
0x5f: {  	_ =	shalt  }
0x60: {  	_ =	shalt  }
0x61: {  	_ =	shalt  }
0x62: {  	_ =	shalt  }
0x63: {  	_ =	shalt  }
0x64: {  	_ =	shalt  }
0x65: {  	_ =	shalt  }
0x66: {  	_ =	shalt  }
0x67: {  	_ =	shalt  }
0x68: {  	_ =	shalt  }
0x69: {  	_ =	shalt  }
0x6a: {  	_ =	shalt  }
0x6b: {  	_ =	shalt  }
0x6c: {  	_ =	shalt  }
0x6d: {  	_ =	shalt  }
0x6e: {  	_ =	shalt  }
0x6f: {  	_ =	shalt  }
0x70: {  	_ =	shalt  }
0x71: {  	_ =	shalt  }
0x72: {  	_ =	shalt  }
0x73: {  	_ =	shalt  }
0x74: {  	_ =	shalt  }
0x75: {  	_ =	shalt  }
0x76: {  	_ =	shalt  }
0x77: {  	_ =	shalt  }
0x78: {  	_ =	shalt  }
0x79: {  	_ =	shalt  }
0x7a: {  	_ =	shalt  }
0x7b: {  	_ =	shalt  }
0x7c: {  	_ =	shalt  }
0x7d: {  	_ =	shalt  }
0x7e: {  	_ =	shalt  }
0x7f: {  	_ =	shalt  }
0x80: {  	_ =	shalt  }
0x81: {  	_ =	shalt  }
0x82: {  	_ =	shalt  }
0x83: {  	_ =	shalt  }
0x84: {  	_ =	shalt  }
0x85: {  	_ =	shalt  }
0x86: {  	_ =	shalt  }
0x87: {  	_ =	shalt  }
.Lfunc_end0:
.L_simem_size_0:
called_computation_lowered:
.L_overlay_start_0:
0x88: {  	s2 =	sld [smem:$0x3FD9]  }
0x89: {  	s3 =	sld [smem:$0x3FFE];
	_ =	sdelay $0x1  }
0x8a: {  	s1 =	srdreg.scid  }
0x8b: {  	s0 =	sand.u32 $0x1, s1  }
0x8c: {  	s17 =	sshll.u32 s0, $0xA;
	s2 =	sadd.s32 s3, s2  }
0x8d: {  	s2 =	sadd.s32 s2, s17  }
0x8e: {  	[smem:$0x3FC3] =	sst s2  }
0x8f: {  	_ = 	snop  }
0x90: {  	s2 =	sld [smem:$0x3FD0];
	(tm) =	ssettm $0x1  }
0x91: {  	s18 =	sld [smem:$0x3FFB];
	_ =	sdelay $0x3  }
0x92: {  	_ =	strace s18  }
0x93: {  	s3 =	sld [smem:$0x3FFC];
	_ =	sdelay $0x3  }
0x94: {  	_ =	strace s3  }
0x95: {  	s3 =	sld [smem:$0x3FFD];
	_ =	sdelay $0x3  }
0x96: {  	_ =	strace s3  }
0x97: {  	_ =	strace $0x8FFFFFFF  }
0x98: {  	s19 =	sld [smem:$0x3FDB];
	_ =	sdelay $0x1  }
0x99: {  	s4 =	simm.s32 $_scs_section_size  }
0x9a: {  	s5 =	simm.s32 $_size__tile_overlayer_lowered;
	s6 =	simm.s32 $_tile_overlayer_lowered  }
0x9b: {  	s22 =	simm.s32 $0x1BFF;
	s21 =	sshll.u32 s6, $0x1;
	s3 =	sadd.s32 s4, s19  }
0x9c: {  	s7 =	simm.s32 $0x0;
	s20 =	sshll.u32 s5, $0x1;
	s5 =	sadd.s32 s21, s3  }
0x9d: {  	[timem:s7], [sflag:s22] =	dma.local [hbm:s5], s20  }
0x9e: {  	_ =	swait.ge [sflag:s22], s20  }
0x9f: {  	s4 =	ssub.s32 $0x0, s20;
	[sflag:s22] =	ssyncset.done $0x0  }
0xa0: {  	[sflag:s22] =	ssyncadd.s32 s4;
	_ =	sdelay $0x1  }
0xa1: {  	s23 =	simm.s32 $0x1B8B  }
0xa2: {  	_ =	swait.ge [sflag:s23], $0x1  }
0xa3: {  	[sflag:s23] =	ssyncset.done $0x0  }
0xa4: {  	s25 =	simm.s32 $0x1B8E;
	s24 =	sld [smem:$0x3FFE];
	[sflag:s23] =	ssyncadd.s32 $0xFFFFFFFF  }
0xa5: {  	s26 =	simm.s32 $execute0_lowered;
	[smem:$0x3FD2] =	sst s25  }
0xa6: {  	s5 =	sshll.u32 s26, $0x1;
	_ =	strace $0x80000046;
	[dreg:$0x1] =	wrdreg $0xFFFFFFFF  }
0xa7: {  	s28 =	simm.s32 $_size_execute0_lowered;
	s3 =	sadd.s32 s3, s5;
	[dreg:$0x0] =	wrdreg $0x0  }
0xa8: {  	s5 =	sshll.u32 s28, $0x1;
	[dreg:$0x2] =	wrdreg s3  }
0xa9: {  	[dreg:$0x3] =	wrdreg s5  }
0xaa: {  	[dreg:$0x4] =	wrdreg $0xC0  }
0xab: {  	_ =	task [dreg:s7], $0x5FFFF  }
0xac: {  	[dreg:$0x1] =	wrdreg $0xFFFFFFFF  }
0xad: {  	[dreg:$0x0] =	wrdreg $0x60  }
0xae: {  	[dreg:$0x2] =	wrdreg s24  }
0xaf: {  	[dreg:$0x3] =	wrdreg s2  }
0xb0: {  	[dreg:$0x4] =	wrdreg $0x9  }
0xb1: {  	_ =	task.clear_ibuf [dreg:s7], $0x5FFFF;
	_ =	strace $0x90000046  }
0xb2: {  	s29 =	simm.s32 $0x9;
	_ =	strace $0x80000048  }
0xb3: {  	_ =	swait.ge [sflag:s29], $0x1  }
0xb4: {  	[sflag:s29] =	ssyncadd.s32 $0xFFFFFFFF  }
0xb5: {  	_ =	strace $0x90000048  }
0xb6: {  	_ =	sfence  }
0xb7: {  	s30 =	sld [smem:$0x0];
	_ =	sdelay $0x2  }
0xb8: {  	s31 =	sshll.u32 s1, $0xD;
	s1 =	sshrl.u32 s1, $0x2  }
0xb9: {  	s3 =	sand.u32 $0x4000, s31;
	s1 =	sadd.s32 s1, s30  }
0xba: {  	s0 =	sor.u32 s3, s0;
	s1 =	sshll.u32 s1, $0x11  }
0xbb: {  	s0 =	sor.u32 s1, s0  }
0xbc: {  	s0 =	sadd.s32 $0x8F2B, s0  }
0xbd: {  	[sflag:s0] =	ssyncadd.remote.s32 $0x1  }
0xbe: {  	_ =	sfence.sel $0xFFFF  }
0xbf: {  	[dreg:$0x0] =	wrdreg $0xFFFFFFFF;
	(pc) =	sbr.abs _section_cstart, $3  }
0xc0: {  	[dreg:$0x1] =	wrdreg $0xFFFFFFFF  }
0xc1: {  	_ =	task.clear_ibuf [dreg:s7], $0x2FFFF;
	_ =	strace $0x9FFFFFFF  }
0xc2: {  	(tm) =	ssettm $0x7FFFFFFF  }
0xc3: {  	_ =	shalt  }
tec
execute0_lowered:
.L_overlay_start_1:
0x0: {  	(tag) =	ssettag $0x1  }
0x1: {  	s0 =	rddreg [dreg:$0x0]  }
0x2: {  	s1 =	rddreg [dreg:$0x1];
	s2 =	simm.s32 $0x0  }
0x3: {  	s3 =	srdreg.scid;
	s10 =	stileid.u32;
	s12 =	simm.s32 $0x7  }
0x4: {  	s13 =	simm.s32 $0x80;
	s14 =	simm.s32 $0x2000;
	s15 =	simm.s32 $0x6000  }
0x5: {  	s17 =	simm.s32 $0xA000;
	s19 =	simm.s32 $0xE000;
	s20 =	simm.s32 $0x1  }
0x6: {  	s22 =	simm.s32 $0x12000;
	s30 =	simm.s32 $0x3;
	s31 =	simm.s32 $0x5  }
0x7: {  	s16 =	simm.s32 $0x1F80;
	s18 =	simm.s32 $0x0;
	[smem:$0x7FF] =	sst s2  }
0x8: {  	s9 =	sand.u32 $0x1, s3;
	s24 =	sshll.u32 s10, $0x1;
	s3 =	sadd.s32 $0x8A00, s0  }
0x9: {  	s26 =	sshll.u32 s10, $0x12;
	_ =	strace $0x80000047;
	s4 =	sor.u32 s9, s24  }
0xa: {  	s6 =	ssub.s32 $0x2, s9;
	s29 =	sshll.u32 s9, $0x11;
	s24 =	simm.s32 $0x16000  }
0xb: {  	s5 =	sshll.u32 s4, $0xA;
	s25 =	sshrl.u32 s6, $0x1;
	s7 =	sshll.u32 s4, $0x11  }
0xc: {  	s0 =	sadd.s32 s5, s0;
	s8 =	ssub.s32 s6, s25;
	s5 =	sadd.s32 s1, s7  }
0xd: {  	s25 =	simm.s32 $0x2;
	s4 =	sadd.s32 $0xA00, s0;
	s6 =	sadd.s32 $0x1E000, s5  }
0xe: {  	s7 =	sadd.s32 $0x1F000, s5;
	s8 =	smax.u32 s8, $0x1;
	s0 =	sadd.s32 s26, s1  }
0xf: {  	s9 =	sadd.s32 $0x1000, s5;
	s10 =	sadd.s32 $0x2000, s5;
	s0 =	sadd.s32 s29, s0  }
0x10: {  	s26 =	simm.s32 $0x4;
	s28 =	sadd.s32 $0x5000, s0;
	s0 =	simm.s32 $0x6  }
.LBB2_1:
0x11: {  	[tilespmem:s2], [sflag:$0x7] =	stream.linear.gather [hbm4b:s4+s2], $0x2000, $0x38;
	[tilespmem:$0x1A000] =	vst v63  }
0x12: {  	_ =	swait.ge [sflag:s12], $0x2000  }
0x13: {  	[sflag:s12] =	ssyncset.done $0x0  }
0x14: {  	[sflag:s12] =	ssyncadd.s32 $0xFFFFE000  }
0x15: {  	[tilespmem:s14], [sflag:$0x1] =	stream.indirect.gather [hbm4b:s3+s13], $0x80, s2, s13, $0xb8;
	[tilespmem:$0x1A000] =	vst v63  }
0x16: {  	_ = 	snop  }
0x17: {  	[tilespmem:s15], [sflag:$0x1] =	stream.indirect.gather [hbm4b:s3+s13], $0x80, s13, s13, $0xb8;
	[tilespmem:$0x1A000] =	vst v63  }
0x18: {  	s1 =	simm.s32 $0x100  }
0x19: {  	[tilespmem:s17], [sflag:$0x2] =	stream.indirect.gather [hbm4b:s3+s13], $0x80, s1, s13, $0xb8;
	[tilespmem:$0x1A000] =	vst v63  }
0x1a: {  	s11 =	simm.s32 $0x180  }
0x1b: {  	[tilespmem:s19], [sflag:$0x2] =	stream.indirect.gather [hbm4b:s3+s13], $0x80, s11, s13, $0xb8;
	[tilespmem:$0x1A000] =	vst v63  }
0x1c: {  	_ =	swait.ge [sflag:s20], $0x4000  }
0x1d: {  	[sflag:s20] =	ssyncset.done $0x0  }
0x1e: {  	[sflag:s20] =	ssyncadd.s32 $0xFFFFC000  }
0x1f: {  	_ =	swait.ge [sflag:s20], $0x4000  }
0x20: {  	[sflag:s20] =	ssyncset.done $0x0  }
0x21: {  	[sflag:s20] =	ssyncadd.s32 $0xFFFFC000  }
0x22: {  	[hbm4b:s5+s2] =	stream.linear.scatter [tilespmem:s14], [sflag:$0x4], $0x8000, $0x38;
	[tilespmem:$0x1A000] =	vst v63  }
0x23: {  	s21 =	simm.s32 $0x200  }
0x24: {  	[tilespmem:s22], [sflag:$0x3] =	stream.indirect.gather [hbm4b:s3+s13], $0x80, s21, s13, $0xb8;
	[tilespmem:$0x1A000] =	vst v63  }
0x25: {  	s23 =	simm.s32 $0x280  }
0x26: {  	[tilespmem:s24], [sflag:$0x3] =	stream.indirect.gather [hbm4b:s3+s13], $0x80, s23, s13, $0xb8;
	[tilespmem:$0x1A000] =	vst v63  }
0x27: {  	_ =	swait.ge [sflag:s25], $0x4000  }
0x28: {  	[sflag:s25] =	ssyncset.done $0x0  }
0x29: {  	[sflag:s25] =	ssyncadd.s32 $0xFFFFC000  }
0x2a: {  	_ =	swait.ge [sflag:s25], $0x4000  }
0x2b: {  	[sflag:s25] =	ssyncset.done $0x0  }
0x2c: {  	[sflag:s25] =	ssyncadd.s32 $0xFFFFC000  }
0x2d: {  	[hbm4b:s9+s2] =	stream.linear.scatter [tilespmem:s17], [sflag:$0x5], $0x8000, $0x38;
	[tilespmem:$0x1A000] =	vst v63  }
0x2e: {  	_ =	swait.ge [sflag:s26], $0x8000  }
0x2f: {  	[sflag:s26] =	ssyncset.done $0x0  }
0x30: {  	s29 =	simm.s32 $0x300;
	[sflag:s26] =	ssyncadd.s32 $0xFFFF8000  }
0x31: {  	[tilespmem:s14], [sflag:$0x1] =	stream.indirect.gather [hbm4b:s3+s13], $0x80, s29, s13, $0xb8;
	[tilespmem:$0x1A000] =	vst v63  }
0x32: {  	s11 =	simm.s32 $0x380  }
0x33: {  	[tilespmem:s15], [sflag:$0x1] =	stream.indirect.gather [hbm4b:s3+s13], $0x80, s11, s13, $0xb8;
	[tilespmem:$0x1A000] =	vst v63  }
0x34: {  	_ =	swait.ge [sflag:s30], $0x4000  }
0x35: {  	[sflag:s30] =	ssyncset.done $0x0  }
0x36: {  	[sflag:s30] =	ssyncadd.s32 $0xFFFFC000  }
0x37: {  	_ =	swait.ge [sflag:s30], $0x4000  }
0x38: {  	[sflag:s30] =	ssyncset.done $0x0  }
0x39: {  	[sflag:s30] =	ssyncadd.s32 $0xFFFFC000  }
0x3a: {  	[hbm4b:s10+s2] =	stream.linear.scatter [tilespmem:s22], [sflag:$0x6], $0x8000, $0x38;
	[tilespmem:$0x1A000] =	vst v63  }
0x3b: {  	_ =	swait.ge [sflag:s31], $0x8000  }
0x3c: {  	[sflag:s31] =	ssyncset.done $0x0  }
0x3d: {  	s11 =	simm.s32 $0x400;
	[sflag:s31] =	ssyncadd.s32 $0xFFFF8000  }
0x3e: {  	[tilespmem:s17], [sflag:$0x2] =	stream.indirect.gather [hbm4b:s3+s13], $0x80, s11, s13, $0xb8;
	[tilespmem:$0x1A000] =	vst v63  }
0x3f: {  	s21 =	simm.s32 $0x480  }
0x40: {  	[tilespmem:s19], [sflag:$0x2] =	stream.indirect.gather [hbm4b:s3+s13], $0x80, s21, s13, $0xb8;
	[tilespmem:$0x1A000] =	vst v63  }
0x41: {  	_ =	swait.ge [sflag:s20], $0x4000  }
0x42: {  	[sflag:s20] =	ssyncset.done $0x0  }
0x43: {  	[sflag:s20] =	ssyncadd.s32 $0xFFFFC000  }
0x44: {  	_ =	swait.ge [sflag:s20], $0x4000  }
0x45: {  	[sflag:s20] =	ssyncset.done $0x0  }
0x46: {  	s23 =	sadd.s32 $0xFFFFE000, s28;
	[sflag:s20] =	ssyncadd.s32 $0xFFFFC000  }
0x47: {  	[hbm4b:s23+s2] =	stream.linear.scatter [tilespmem:s14], [sflag:$0x4], $0x8000, $0x38;
	[tilespmem:$0x1A000] =	vst v63  }
0x48: {  	_ =	swait.ge [sflag:s0], $0x8000  }
0x49: {  	[sflag:s0] =	ssyncset.done $0x0  }
0x4a: {  	s29 =	simm.s32 $0x500;
	[sflag:s0] =	ssyncadd.s32 $0xFFFF8000  }
0x4b: {  	[tilespmem:s22], [sflag:$0x3] =	stream.indirect.gather [hbm4b:s3+s13], $0x80, s29, s13, $0xb8;
	[tilespmem:$0x1A000] =	vst v63  }
0x4c: {  	s1 =	simm.s32 $0x580  }
0x4d: {  	[tilespmem:s24], [sflag:$0x3] =	stream.indirect.gather [hbm4b:s3+s13], $0x80, s1, s13, $0xb8;
	[tilespmem:$0x1A000] =	vst v63  }
0x4e: {  	_ =	swait.ge [sflag:s25], $0x4000  }
0x4f: {  	[sflag:s25] =	ssyncset.done $0x0  }
0x50: {  	[sflag:s25] =	ssyncadd.s32 $0xFFFFC000  }
0x51: {  	_ =	swait.ge [sflag:s25], $0x4000  }
0x52: {  	[sflag:s25] =	ssyncset.done $0x0  }
0x53: {  	s21 =	sadd.s32 $0xFFFFF000, s28;
	[sflag:s25] =	ssyncadd.s32 $0xFFFFC000  }
0x54: {  	[hbm4b:s21+s2] =	stream.linear.scatter [tilespmem:s17], [sflag:$0x5], $0x8000, $0x38;
	[tilespmem:$0x1A000] =	vst v63  }
0x55: {  	_ =	swait.ge [sflag:s26], $0x8000  }
0x56: {  	[sflag:s26] =	ssyncset.done $0x0  }
0x57: {  	s23 =	simm.s32 $0x600;
	[sflag:s26] =	ssyncadd.s32 $0xFFFF8000  }
0x58: {  	[tilespmem:s14], [sflag:$0x1] =	stream.indirect.gather [hbm4b:s3+s13], $0x80, s23, s13, $0xb8;
	[tilespmem:$0x1A000] =	vst v63  }
0x59: {  	s29 =	simm.s32 $0x680  }
0x5a: {  	[tilespmem:s15], [sflag:$0x1] =	stream.indirect.gather [hbm4b:s3+s13], $0x80, s29, s13, $0xb8;
	[tilespmem:$0x1A000] =	vst v63  }
0x5b: {  	_ =	swait.ge [sflag:s30], $0x4000  }
0x5c: {  	[sflag:s30] =	ssyncset.done $0x0  }
0x5d: {  	[sflag:s30] =	ssyncadd.s32 $0xFFFFC000  }
0x5e: {  	_ =	swait.ge [sflag:s30], $0x4000  }
0x5f: {  	s11 =	smov.u32 s28;
	[sflag:s30] =	ssyncset.done $0x0  }
0x60: {  	s21 =	simm.s32 $0xC00;
	s23 =	sadd.s32 $0x3000, s28;
	[sflag:s30] =	ssyncadd.s32 $0xFFFFC000  }
.LBB2_2:
0x61: {  	[hbm4b:s11+s2] =	stream.linear.scatter [tilespmem:s22], [sflag:$0x6], $0x8000, $0x38;
	[tilespmem:$0x1A000] =	vst v63  }
0x62: {  	s29 =	smov.u32 s21;
	s11 =	smov.u32 s23  }
0x63: {  	p0 =	sne.s32 s21, $0x6000;
	s21 =	sadd.s32 $0xC00, s21;
	_ =	swait.ge [sflag:s31], $0x8000  }
0x64: {  	s29 =	sshra.s32 s29, $0x2;
	[sflag:s31] =	ssyncset.done $0x0  }
0x65: {  	s1 =	sadd.s32 $0x400, s29;
	[sflag:s31] =	ssyncadd.s32 $0xFFFF8000  }
0x66: {  	[tilespmem:s17], [sflag:$0x2] =	stream.indirect.gather [hbm4b:s3+s13], $0x80, s1, s13, $0xb8;
	[tilespmem:$0x1A000] =	vst v63  }
0x67: {  	s1 =	sadd.s32 $0x480, s29  }
0x68: {  	[tilespmem:s19], [sflag:$0x2] =	stream.indirect.gather [hbm4b:s3+s13], $0x80, s1, s13, $0xb8;
	[tilespmem:$0x1A000] =	vst v63  }
0x69: {  	_ =	swait.ge [sflag:s20], $0x4000  }
0x6a: {  	[sflag:s20] =	ssyncset.done $0x0  }
0x6b: {  	[sflag:s20] =	ssyncadd.s32 $0xFFFFC000  }
0x6c: {  	_ =	swait.ge [sflag:s20], $0x4000  }
0x6d: {  	[sflag:s20] =	ssyncset.done $0x0  }
0x6e: {  	s1 =	sadd.s32 $0xFFFFE000, s23;
	[sflag:s20] =	ssyncadd.s32 $0xFFFFC000  }
0x6f: {  	[hbm4b:s1+s2] =	stream.linear.scatter [tilespmem:s14], [sflag:$0x4], $0x8000, $0x38;
	[tilespmem:$0x1A000] =	vst v63  }
0x70: {  	_ =	swait.ge [sflag:s0], $0x8000  }
0x71: {  	[sflag:s0] =	ssyncset.done $0x0  }
0x72: {  	s1 =	sadd.s32 $0x500, s29;
	[sflag:s0] =	ssyncadd.s32 $0xFFFF8000  }
0x73: {  	[tilespmem:s22], [sflag:$0x3] =	stream.indirect.gather [hbm4b:s3+s13], $0x80, s1, s13, $0xb8;
	[tilespmem:$0x1A000] =	vst v63  }
0x74: {  	s1 =	sadd.s32 $0x580, s29  }
0x75: {  	[tilespmem:s24], [sflag:$0x3] =	stream.indirect.gather [hbm4b:s3+s13], $0x80, s1, s13, $0xb8;
	[tilespmem:$0x1A000] =	vst v63  }
0x76: {  	_ =	swait.ge [sflag:s25], $0x4000  }
0x77: {  	[sflag:s25] =	ssyncset.done $0x0  }
0x78: {  	[sflag:s25] =	ssyncadd.s32 $0xFFFFC000  }
0x79: {  	_ =	swait.ge [sflag:s25], $0x4000  }
0x7a: {  	[sflag:s25] =	ssyncset.done $0x0  }
0x7b: {  	s1 =	sadd.s32 $0xFFFFF000, s23;
	[sflag:s25] =	ssyncadd.s32 $0xFFFFC000  }
0x7c: {  	[hbm4b:s1+s2] =	stream.linear.scatter [tilespmem:s17], [sflag:$0x5], $0x8000, $0x38;
	[tilespmem:$0x1A000] =	vst v63  }
0x7d: {  	_ =	swait.ge [sflag:s26], $0x8000  }
0x7e: {  	[sflag:s26] =	ssyncset.done $0x0  }
0x7f: {  	s1 =	sadd.s32 $0x600, s29;
	[sflag:s26] =	ssyncadd.s32 $0xFFFF8000  }
0x80: {  	[tilespmem:s14], [sflag:$0x1] =	stream.indirect.gather [hbm4b:s3+s13], $0x80, s1, s13, $0xb8;
	[tilespmem:$0x1A000] =	vst v63  }
0x81: {  	s1 =	sadd.s32 $0x680, s29  }
0x82: {  	[tilespmem:s15], [sflag:$0x1] =	stream.indirect.gather [hbm4b:s3+s13], $0x80, s1, s13, $0xb8;
	[tilespmem:$0x1A000] =	vst v63  }
0x83: {  	_ =	swait.ge [sflag:s30], $0x4000  }
.Ltmp0:
0x84: {  	[sflag:s30] =	ssyncset.done $0x0;
	(pc) =	sbr.rel @p0 .LBB2_2-.Ltmp0, $4  }
0x85: {  	[sflag:s30] =	ssyncadd.s32 $0xFFFFC000  }
0x86: {  	_ =	swait.ge [sflag:s30], $0x4000  }
0x87: {  	[sflag:s30] =	ssyncset.done $0x0  }
0x88: {  	s23 =	sadd.s32 $0x3000, s23;
	[sflag:s30] =	ssyncadd.s32 $0xFFFFC000  }
0x89: {  	[hbm4b:s11+s2] =	stream.linear.scatter [tilespmem:s22], [sflag:$0x6], $0x8000, $0x38;
	[tilespmem:$0x1A000] =	vst v63  }
0x8a: {  	_ =	swait.ge [sflag:s31], $0x8000  }
0x8b: {  	[sflag:s31] =	ssyncset.done $0x0  }
0x8c: {  	s1 =	simm.s32 $0x1F00;
	[sflag:s31] =	ssyncadd.s32 $0xFFFF8000  }
0x8d: {  	[tilespmem:s17], [sflag:$0x2] =	stream.indirect.gather [hbm4b:s3+s13], $0x80, s1, s13, $0xb8;
	[tilespmem:$0x1A000] =	vst v63  }
0x8e: {  	_ = 	snop  }
0x8f: {  	[tilespmem:s19], [sflag:$0x2] =	stream.indirect.gather [hbm4b:s3+s13], $0x80, s16, s13, $0xb8;
	[tilespmem:$0x1A000] =	vst v63  }
0x90: {  	_ =	swait.ge [sflag:s20], $0x4000  }
0x91: {  	[sflag:s20] =	ssyncset.done $0x0  }
0x92: {  	[sflag:s20] =	ssyncadd.s32 $0xFFFFC000  }
0x93: {  	_ =	swait.ge [sflag:s20], $0x4000  }
0x94: {  	[sflag:s20] =	ssyncset.done $0x0  }
0x95: {  	[sflag:s20] =	ssyncadd.s32 $0xFFFFC000  }
0x96: {  	[hbm4b:s6+s2] =	stream.linear.scatter [tilespmem:s14], [sflag:$0x4], $0x8000, $0x38;
	[tilespmem:$0x1A000] =	vst v63  }
0x97: {  	_ =	swait.ge [sflag:s0], $0x8000  }
0x98: {  	[sflag:s0] =	ssyncset.done $0x0  }
0x99: {  	[sflag:s0] =	ssyncadd.s32 $0xFFFF8000  }
0x9a: {  	_ =	swait.ge [sflag:s25], $0x4000  }
0x9b: {  	[sflag:s25] =	ssyncset.done $0x0  }
0x9c: {  	[sflag:s25] =	ssyncadd.s32 $0xFFFFC000  }
0x9d: {  	_ =	swait.ge [sflag:s25], $0x4000  }
0x9e: {  	[sflag:s25] =	ssyncset.done $0x0  }
0x9f: {  	s18 =	sadd.s32 $0x1, s18;
	[sflag:s25] =	ssyncadd.s32 $0xFFFFC000  }
0xa0: {  	[hbm4b:s7+s2] =	stream.linear.scatter [tilespmem:s17], [sflag:$0x5], $0x8000, $0x38;
	[tilespmem:$0x1A000] =	vst v63  }
0xa1: {  	p0 =	sne.s32 s18, s8;
	_ =	swait.ge [sflag:s26], $0x8000  }
.Ltmp1:
0xa2: {  	[sflag:s26] =	ssyncset.done $0x0;
	(pc) =	sbr.rel @p0 .LBB2_1-.Ltmp1, $4  }
0xa3: {  	[sflag:s26] =	ssyncadd.s32 $0xFFFF8000  }
0xa4: {  	_ =	swait.ge [sflag:s31], $0x8000  }
0xa5: {  	[sflag:s31] =	ssyncset.done $0x0  }
0xa6: {  	[sflag:s31] =	ssyncadd.s32 $0xFFFF8000  }
0xa7: {  	_ =	sfence.sel $0x180000  }
0xa8: {  	[bflag:$0x0] =	sbarrier.arrive $0xFFFF  }
0xa9: {  	_ =	strace $0x90000047  }
0xaa: {  	s0 =	stileid.u32;
	[bflag:$0x2] =	sbarrier.arrive $0xFFFF  }
0xab: {  	p0 =	sne.s32 s0, $0x0;
	s0 =	rddreg [dreg:$0x2]  }
0xac: {  	s0 =	sadd.s32 @!p0 $0x100000, s0  }
0xad: {  	[sflag:s0] =	ssyncadd.tile.s32 @!p0 $0x1;
	_ =	shalt  }
.Lfunc_end2:
_tile_overlayer_lowered:
.L_overlay_start_2:
0xae: {  	(tag) =	ssettag $0x2  }
0xaf: {  	s0 =	rddreg [dreg:$0x0];
	s2 =	stileid.u32  }
0xb0: {  	s1 =	rddreg [dreg:$0x1];
	p0 =	sne.s32 s2, $0x0  }
0xb1: {  	s3 =	rddreg [dreg:$0x2];
	[bflag:$0x3] =	sbarrier.arrive $0xFFFF;
	s2 =	simm.s32 @!p0 $0x1C07  }
0xb2: {  	[timem:s3], [sflag:s2] =	dma.local @!p0 [hbm:s0], s1  }
0xb3: {  	s0 =	simm.s32 @!p0 $0x7  }
0xb4: {  	_ =	swait.ge @!p0 [sflag:s0], s1  }
0xb5: {  	s1 =	ssub.s32 @!p0 $0x0, s1;
	[sflag:s0] =	ssyncset.done @!p0 $0x0  }
0xb6: {  	[sflag:s0] =	ssyncadd.s32 @!p0 s1  }
0xb7: {  	[bflag:$0x3] =	sbarrier.arrive $0xFFFF  }
0xb8: {  	_ =	shalt  }

</sc_bundles>
